<compile_context>
chip_gen: v7x
topology: tpu7x:2x2x1
jax: 0.10.2.dev20260603
libtpu: 0.0.44.dev20260713+nightly
codegen_flags: <defaults>
</compile_context>

<pallas_src>
import functools

import jax
import jax.numpy as jnp
from jax import lax
from jax.experimental import pallas as pl
from jax.experimental.pallas import tpu as pltpu
from jax.experimental.pallas import tpu_sc as plsc

NUM_CORES = 2
NUM_SUBCORES = 16
NUM_TILES = NUM_CORES * NUM_SUBCORES
LANES = 16
CHUNK = 128


def _comb_body(m_ref, d_ref, o_ref):
    m = m_ref[...]
    d = d_ref[...]
    o_ref[...] = (m[:, None, :] + d[None, :, :]).reshape(13 * 32, 128)


def _make_comb(month_table, day_table):
    return pl.pallas_call(
        _comb_body,
        out_shape=jax.ShapeDtypeStruct((13 * 32, 128), jnp.float32),
    )(month_table, day_table)


def _make_sc_kernel(n, hidden):
    per_tile = n // NUM_TILES
    n_chunks = per_tile // CHUNK
    assert n_chunks % 2 == 0 and n_chunks >= 6
    mesh = plsc.VectorSubcoreMesh(
        core_axis_name="c", subcore_axis_name="s",
        num_cores=NUM_CORES, num_subcores=NUM_SUBCORES,
    )

    idx_t = pltpu.VMEM((CHUNK,), jnp.int32)
    rows_t = pltpu.VMEM((CHUNK, hidden), jnp.float32)

    @functools.partial(
        pl.kernel,
        out_type=jax.ShapeDtypeStruct((n, hidden), jnp.float32),
        mesh=mesh,
        scratch_types=[idx_t] * 8 + [rows_t] * 4
        + [pltpu.SemaphoreType.DMA] * 6,
    )
    def _sc(year_hbm, month_hbm, day_hbm, ytab_hbm, ctab_hbm, out_hbm,
            yi0, yi1, mi0, mi1, di0, di1, md0, md1,
            ry0, ry1, rc0, rc1,
            semi0, semi1, semg0, semg1, semo0, semo1):
        yidx, midx, didx, md = (yi0, yi1), (mi0, mi1), (di0, di1), (md0, md1)
        rows_y, rows_c = (ry0, ry1), (rc0, rc1)
        sem_idx, sem_g, sem_out = (semi0, semi1), (semg0, semg1), (semo0, semo1)

        wid = lax.axis_index("s") * NUM_CORES + lax.axis_index("c")
        base0 = wid * per_tile

        def issue_idx(c, b):
            base = base0 + c * CHUNK
            pltpu.async_copy(year_hbm.at[pl.ds(base, CHUNK)], yidx[b], sem_idx[b])
            pltpu.async_copy(month_hbm.at[pl.ds(base, CHUNK)], midx[b], sem_idx[b])
            pltpu.async_copy(day_hbm.at[pl.ds(base, CHUNK)], didx[b], sem_idx[b])

        def wait_idx(b):
            pltpu.make_async_copy(year_hbm.at[pl.ds(0, CHUNK)], yidx[b], sem_idx[b]).wait()
            pltpu.make_async_copy(month_hbm.at[pl.ds(0, CHUNK)], midx[b], sem_idx[b]).wait()
            pltpu.make_async_copy(day_hbm.at[pl.ds(0, CHUNK)], didx[b], sem_idx[b]).wait()

        def compute_md(b):
            for k in range(CHUNK // LANES):
                s = pl.ds(k * LANES, LANES)
                md[b][s] = midx[b][s] * 32 + didx[b][s]

        def issue_gather(b):
            pltpu.async_copy(ytab_hbm.at[yidx[b]], rows_y[b], sem_g[b])
            pltpu.async_copy(ctab_hbm.at[md[b]], rows_c[b], sem_g[b])

        def wait_gather(b):
            pltpu.make_async_copy(ytab_hbm.at[yidx[b]], rows_y[b], sem_g[b]).wait()
            pltpu.make_async_copy(ctab_hbm.at[md[b]], rows_c[b], sem_g[b]).wait()

        def issue_out(c, b):
            base = base0 + c * CHUNK
            pltpu.async_copy(rows_y[b], out_hbm.at[pl.ds(base, CHUNK)], sem_out[b])

        def wait_out(b):
            pltpu.make_async_copy(rows_y[b], out_hbm.at[pl.ds(0, CHUNK)], sem_out[b]).wait()

        def add_rows(b):
            @pl.loop(0, CHUNK)
            def _row_loop(i):
                for k in range(hidden // LANES):
                    s = pl.ds(k * LANES, LANES)
                    plsc.addupdate(rows_y[b].at[i, s], rows_c[b][i, s])

        def step(c, b, wait_prev_out, next_gather, next_idx):
            nb = 1 - b
            if next_gather:
                wait_idx(nb)
                compute_md(nb)
                if wait_prev_out:
                    wait_out(nb)
                issue_gather(nb)
            wait_gather(b)
            if next_idx:
                issue_idx(c + 2, b)
            add_rows(b)
            issue_out(c, b)

        issue_idx(0, 0)
        issue_idx(1, 1)
        wait_idx(0)
        compute_md(0)
        issue_gather(0)
        step(0, 0, False, True, True)

        @pl.loop(1, n_chunks - 3, step=2)
        def _main(c):
            step(c, 1, True, True, True)
            step(c + 1, 0, True, True, True)

        step(n_chunks - 3, 1, True, True, True)
        step(n_chunks - 2, 0, True, True, False)
        step(n_chunks - 1, 1, True, False, False)
        wait_out(0)
        wait_out(1)

    return _sc


def kernel(year, month, day, year_table, month_table, day_table):
    b, l = year.shape
    hidden = year_table.shape[1]
    n = b * l
    yidx = year.reshape(n).astype(jnp.int32)
    midx = month.reshape(n).astype(jnp.int32)
    didx = day.reshape(n).astype(jnp.int32)
    comb = _make_comb(month_table.astype(jnp.float32),
                      day_table.astype(jnp.float32))
    sc = _make_sc_kernel(n, hidden)
    out = sc(yidx, midx, didx, year_table, comb)
    return out.reshape(b, l, hidden)

# --- scband reference (transcript-rebuilt; emitter-appended) ---
"""Pipeline reference for scband-date-embeddings-28887950033789 (READ-ONLY COPY).

The authoritative reference and input builder live on the scoring server;
editing this copy changes nothing except your own understanding.
"""

import jax, jax.numpy as jnp
import numpy as np

MAX_YEAR = 100000
HIDDEN = 128
B = 16384
L = 200

def setup_inputs(seed: int = 0) -> dict:
    key = jax.random.key(seed)
    k1, k2, k3, k4, k5, k6 = jax.random.split(key, 6)
    year = jax.random.randint(k1, (B, L), 0, MAX_YEAR, dtype=jnp.int64) if jax.config.jax_enable_x64 else jax.random.randint(k1, (B, L), 0, MAX_YEAR, dtype=jnp.int32)
    month = jax.random.randint(k2, (B, L), 0, 13, dtype=year.dtype)
    day = jax.random.randint(k3, (B, L), 0, 32, dtype=year.dtype)
    year_table = jax.random.normal(k4, (MAX_YEAR, HIDDEN), dtype=jnp.float32) * 0.02
    month_table = jax.random.normal(k5, (13, HIDDEN), dtype=jnp.float32) * 0.02
    day_table = jax.random.normal(k6, (32, HIDDEN), dtype=jnp.float32) * 0.02
    return {"year": year, "month": month, "day": day,
            "year_table": year_table, "month_table": month_table, "day_table": day_table}

def reference(year, month, day, year_table, month_table, day_table):
    year_emb = jnp.take(year_table, year, axis=0)
    month_emb = jnp.take(month_table, month, axis=0)
    day_emb = jnp.take(day_table, day, axis=0)
    return year_emb + month_emb + day_emb

if __name__ == "__main__":
    import jax
    _d = setup_inputs()
    print(jax.jit(kernel)(*tuple(_d.values())))

</pallas_src>

<mosaic_0001>
#map = affine_map<(d0, d1) -> (0)>
#map1 = affine_map<(d0, d1) -> (0, 0)>
module attributes {stable_mosaic.version = 14 : i64} {
  func.func @_sc(%arg0: i32, %arg1: i32, %arg2: memref<3276800xi32, #tpu.memory_space<hbm>>, %arg3: memref<3276800xi32, #tpu.memory_space<hbm>>, %arg4: memref<3276800xi32, #tpu.memory_space<hbm>>, %arg5: memref<100000x128xf32, #tpu.memory_space<hbm>>, %arg6: memref<416x128xf32, #tpu.memory_space<hbm>>, %arg7: memref<3276800x128xf32, #tpu.memory_space<hbm>>, %arg8: memref<128xi32, #tpu.memory_space<vmem>>, %arg9: memref<128xi32, #tpu.memory_space<vmem>>, %arg10: memref<128xi32, #tpu.memory_space<vmem>>, %arg11: memref<128xi32, #tpu.memory_space<vmem>>, %arg12: memref<128xi32, #tpu.memory_space<vmem>>, %arg13: memref<128xi32, #tpu.memory_space<vmem>>, %arg14: memref<128xi32, #tpu.memory_space<vmem>>, %arg15: memref<128xi32, #tpu.memory_space<vmem>>, %arg16: memref<128x128xf32, #tpu.memory_space<vmem>>, %arg17: memref<128x128xf32, #tpu.memory_space<vmem>>, %arg18: memref<128x128xf32, #tpu.memory_space<vmem>>, %arg19: memref<128x128xf32, #tpu.memory_space<vmem>>, %arg20: memref<!tpu.dma_semaphore, #tpu.memory_space<semaphore_mem>>, %arg21: memref<!tpu.dma_semaphore, #tpu.memory_space<semaphore_mem>>, %arg22: memref<!tpu.dma_semaphore, #tpu.memory_space<semaphore_mem>>, %arg23: memref<!tpu.dma_semaphore, #tpu.memory_space<semaphore_mem>>, %arg24: memref<!tpu.dma_semaphore, #tpu.memory_space<semaphore_mem>>, %arg25: memref<!tpu.dma_semaphore, #tpu.memory_space<semaphore_mem>>) attributes {dimension_semantics = [#tpu.dimension_semantics<core_parallel>, #tpu.dimension_semantics<subcore_parallel>], iteration_bounds = array<i64: 2, 16>, scalar_prefetch = 0 : i64, scratch_operands = 18 : i64, tpu.core_type = #tpu.core_type<sc_vector_subcore>, window_params = [{transform_indices = #map}, {transform_indices = #map}, {transform_indices = #map}, {transform_indices = #map1}, {transform_indices = #map1}, {transform_indices = #map1}]} {
    %mul3A = arith.constant 2 : i32
    %mul3A_0 = arith.muli %arg1, %mul3A : i32
    %add3A = arith.addi %mul3A_0, %arg0 : i32
    %mul3A_1 = arith.constant 102400 : i32
    %mul3A_2 = arith.muli %add3A, %mul3A_1 : i32
    %add3A_3 = arith.constant 0 : i32
    %add3A_4 = arith.addi %mul3A_2, %add3A_3 : i32
    %dma_start3A = tpu.memref_slice %arg2[%add3A_4] : memref<3276800xi32, #tpu.memory_space<hbm>> -> memref<128xi32, #tpu.memory_space<hbm>>
    %dma_start3A_5 = tpu.memref_slice %arg2[%add3A_4] : memref<3276800xi32, #tpu.memory_space<hbm>> -> memref<128xi32, #tpu.memory_space<hbm>>
    tpu.enqueue_dma source(%dma_start3A_5 : memref<128xi32, #tpu.memory_space<hbm>>) target(%arg8 : memref<128xi32, #tpu.memory_space<vmem>>) target_semaphore(%arg20 : memref<!tpu.dma_semaphore, #tpu.memory_space<semaphore_mem>>)
    %dma_start3A_6 = tpu.memref_slice %arg3[%add3A_4] : memref<3276800xi32, #tpu.memory_space<hbm>> -> memref<128xi32, #tpu.memory_space<hbm>>
    %dma_start3A_7 = tpu.memref_slice %arg3[%add3A_4] : memref<3276800xi32, #tpu.memory_space<hbm>> -> memref<128xi32, #tpu.memory_space<hbm>>
    tpu.enqueue_dma source(%dma_start3A_7 : memref<128xi32, #tpu.memory_space<hbm>>) target(%arg10 : memref<128xi32, #tpu.memory_space<vmem>>) target_semaphore(%arg20 : memref<!tpu.dma_semaphore, #tpu.memory_space<semaphore_mem>>)
    %dma_start3A_8 = tpu.memref_slice %arg4[%add3A_4] : memref<3276800xi32, #tpu.memory_space<hbm>> -> memref<128xi32, #tpu.memory_space<hbm>>
    %dma_start3A_9 = tpu.memref_slice %arg4[%add3A_4] : memref<3276800xi32, #tpu.memory_space<hbm>> -> memref<128xi32, #tpu.memory_space<hbm>>
    tpu.enqueue_dma source(%dma_start3A_9 : memref<128xi32, #tpu.memory_space<hbm>>) target(%arg12 : memref<128xi32, #tpu.memory_space<vmem>>) target_semaphore(%arg20 : memref<!tpu.dma_semaphore, #tpu.memory_space<semaphore_mem>>)
    %add3A_10 = arith.constant 128 : i32
    %add3A_11 = arith.addi %mul3A_2, %add3A_10 : i32
    %dma_start3A_12 = tpu.memref_slice %arg2[%add3A_11] : memref<3276800xi32, #tpu.memory_space<hbm>> -> memref<128xi32, #tpu.memory_space<hbm>>
    %dma_start3A_13 = tpu.memref_slice %arg2[%add3A_11] : memref<3276800xi32, #tpu.memory_space<hbm>> -> memref<128xi32, #tpu.memory_space<hbm>>
    tpu.enqueue_dma source(%dma_start3A_13 : memref<128xi32, #tpu.memory_space<hbm>>) target(%arg9 : memref<128xi32, #tpu.memory_space<vmem>>) target_semaphore(%arg21 : memref<!tpu.dma_semaphore, #tpu.memory_space<semaphore_mem>>)
    %dma_start3A_14 = tpu.memref_slice %arg3[%add3A_11] : memref<3276800xi32, #tpu.memory_space<hbm>> -> memref<128xi32, #tpu.memory_space<hbm>>
    %dma_start3A_15 = tpu.memref_slice %arg3[%add3A_11] : memref<3276800xi32, #tpu.memory_space<hbm>> -> memref<128xi32, #tpu.memory_space<hbm>>
    tpu.enqueue_dma source(%dma_start3A_15 : memref<128xi32, #tpu.memory_space<hbm>>) target(%arg11 : memref<128xi32, #tpu.memory_space<vmem>>) target_semaphore(%arg21 : memref<!tpu.dma_semaphore, #tpu.memory_space<semaphore_mem>>)
    %dma_start3A_16 = tpu.memref_slice %arg4[%add3A_11] : memref<3276800xi32, #tpu.memory_space<hbm>> -> memref<128xi32, #tpu.memory_space<hbm>>
    %dma_start3A_17 = tpu.memref_slice %arg4[%add3A_11] : memref<3276800xi32, #tpu.memory_space<hbm>> -> memref<128xi32, #tpu.memory_space<hbm>>
    tpu.enqueue_dma source(%dma_start3A_17 : memref<128xi32, #tpu.memory_space<hbm>>) target(%arg13 : memref<128xi32, #tpu.memory_space<vmem>>) target_semaphore(%arg21 : memref<!tpu.dma_semaphore, #tpu.memory_space<semaphore_mem>>)
    %dma_wait3A = arith.constant 0 : i32
    %dma_wait3A_18 = tpu.memref_slice %arg2[%dma_wait3A] : memref<3276800xi32, #tpu.memory_space<hbm>> -> memref<128xi32, #tpu.memory_space<hbm>>
    %dma_wait3A_19 = arith.constant 0 : i32
    %dma_wait3A_20 = tpu.memref_slice %arg2[%dma_wait3A_19] : memref<3276800xi32, #tpu.memory_space<hbm>> -> memref<128xi32, #tpu.memory_space<hbm>>
    tpu.wait_dma2 semaphore(%arg20 : memref<!tpu.dma_semaphore, #tpu.memory_space<semaphore_mem>>) src(%dma_wait3A_20 : memref<128xi32, #tpu.memory_space<hbm>>) dst(%arg8 : memref<128xi32, #tpu.memory_space<vmem>>)
    %dma_wait3A_21 = arith.constant 0 : i32
    %dma_wait3A_22 = tpu.memref_slice %arg3[%dma_wait3A_21] : memref<3276800xi32, #tpu.memory_space<hbm>> -> memref<128xi32, #tpu.memory_space<hbm>>
    %dma_wait3A_23 = arith.constant 0 : i32
    %dma_wait3A_24 = tpu.memref_slice %arg3[%dma_wait3A_23] : memref<3276800xi32, #tpu.memory_space<hbm>> -> memref<128xi32, #tpu.memory_space<hbm>>
    tpu.wait_dma2 semaphore(%arg20 : memref<!tpu.dma_semaphore, #tpu.memory_space<semaphore_mem>>) src(%dma_wait3A_24 : memref<128xi32, #tpu.memory_space<hbm>>) dst(%arg10 : memref<128xi32, #tpu.memory_space<vmem>>)
    %dma_wait3A_25 = arith.constant 0 : i32
    %dma_wait3A_26 = tpu.memref_slice %arg4[%dma_wait3A_25] : memref<3276800xi32, #tpu.memory_space<hbm>> -> memref<128xi32, #tpu.memory_space<hbm>>
    %dma_wait3A_27 = arith.constant 0 : i32
    %dma_wait3A_28 = tpu.memref_slice %arg4[%dma_wait3A_27] : memref<3276800xi32, #tpu.memory_space<hbm>> -> memref<128xi32, #tpu.memory_space<hbm>>
    tpu.wait_dma2 semaphore(%arg20 : memref<!tpu.dma_semaphore, #tpu.memory_space<semaphore_mem>>) src(%dma_wait3A_28 : memref<128xi32, #tpu.memory_space<hbm>>) dst(%arg12 : memref<128xi32, #tpu.memory_space<vmem>>)
    %get3A = arith.constant 0 : index
    %get3A_29 = tpu.vector_load %arg10[%get3A] {strides = array<i32>} : memref<128xi32, #tpu.memory_space<vmem>>, vector<16xi32>,
    %get3A_30 = vector.shape_cast %get3A_29 : vector<16xi32> to vector<16xi32>
    %mul3A_31 = arith.constant 32 : i32
    %mul3A_32 = vector.broadcast %mul3A_31 : i32 to vector<16xi32>
    %mul3A_33 = arith.muli %get3A_30, %mul3A_32 : vector<16xi32>
    %get3A_34 = arith.constant 0 : index
    %get3A_35 = tpu.vector_load %arg12[%get3A_34] {strides = array<i32>} : memref<128xi32, #tpu.memory_space<vmem>>, vector<16xi32>,
    %get3A_36 = vector.shape_cast %get3A_35 : vector<16xi32> to vector<16xi32>
    %add3A_37 = arith.addi %mul3A_33, %get3A_36 : vector<16xi32>
    %swap3A = arith.constant 0 : index
    %swap3A_38 = tpu.vector_load %arg14[%swap3A] {strides = array<i32>} : memref<128xi32, #tpu.memory_space<vmem>>, vector<16xi32>,
    %swap3A_39 = vector.shape_cast %swap3A_38 : vector<16xi32> to vector<16xi32>
    %swap3A_40 = vector.shape_cast %add3A_37 : vector<16xi32> to vector<16xi32>
    tpu.vector_store %arg14[%swap3A], %swap3A_40 {strides = array<i32>} : memref<128xi32, #tpu.memory_space<vmem>>, vector<16xi32>,
    %get3A_41 = arith.constant 16 : index
    %get3A_42 = tpu.vector_load %arg10[%get3A_41] {strides = array<i32>} : memref<128xi32, #tpu.memory_space<vmem>>, vector<16xi32>,
    %get3A_43 = vector.shape_cast %get3A_42 : vector<16xi32> to vector<16xi32>
    %mul3A_44 = arith.constant 32 : i32
    %mul3A_45 = vector.broadcast %mul3A_44 : i32 to vector<16xi32>
    %mul3A_46 = arith.muli %get3A_43, %mul3A_45 : vector<16xi32>
    %get3A_47 = arith.constant 16 : index
    %get3A_48 = tpu.vector_load %arg12[%get3A_47] {strides = array<i32>} : memref<128xi32, #tpu.memory_space<vmem>>, vector<16xi32>,
    %get3A_49 = vector.shape_cast %get3A_48 : vector<16xi32> to vector<16xi32>
    %add3A_50 = arith.addi %mul3A_46, %get3A_49 : vector<16xi32>
    %swap3A_51 = arith.constant 16 : index
    %swap3A_52 = tpu.vector_load %arg14[%swap3A_51] {strides = array<i32>} : memref<128xi32, #tpu.memory_space<vmem>>, vector<16xi32>,
    %swap3A_53 = vector.shape_cast %swap3A_52 : vector<16xi32> to vector<16xi32>
    %swap3A_54 = vector.shape_cast %add3A_50 : vector<16xi32> to vector<16xi32>
    tpu.vector_store %arg14[%swap3A_51], %swap3A_54 {strides = array<i32>} : memref<128xi32, #tpu.memory_space<vmem>>, vector<16xi32>,
    %get3A_55 = arith.constant 32 : index
    %get3A_56 = tpu.vector_load %arg10[%get3A_55] {strides = array<i32>} : memref<128xi32, #tpu.memory_space<vmem>>, vector<16xi32>,
    %get3A_57 = vector.shape_cast %get3A_56 : vector<16xi32> to vector<16xi32>
    %mul3A_58 = arith.constant 32 : i32
    %mul3A_59 = vector.broadcast %mul3A_58 : i32 to vector<16xi32>
    %mul3A_60 = arith.muli %get3A_57, %mul3A_59 : vector<16xi32>
    %get3A_61 = arith.constant 32 : index
    %get3A_62 = tpu.vector_load %arg12[%get3A_61] {strides = array<i32>} : memref<128xi32, #tpu.memory_space<vmem>>, vector<16xi32>,
    %get3A_63 = vector.shape_cast %get3A_62 : vector<16xi32> to vector<16xi32>
    %add3A_64 = arith.addi %mul3A_60, %get3A_63 : vector<16xi32>
    %swap3A_65 = arith.constant 32 : index
    %swap3A_66 = tpu.vector_load %arg14[%swap3A_65] {strides = array<i32>} : memref<128xi32, #tpu.memory_space<vmem>>, vector<16xi32>,
    %swap3A_67 = vector.shape_cast %swap3A_66 : vector<16xi32> to vector<16xi32>
    %swap3A_68 = vector.shape_cast %add3A_64 : vector<16xi32> to vector<16xi32>
    tpu.vector_store %arg14[%swap3A_65], %swap3A_68 {strides = array<i32>} : memref<128xi32, #tpu.memory_space<vmem>>, vector<16xi32>,
    %get3A_69 = arith.constant 48 : index
    %get3A_70 = tpu.vector_load %arg10[%get3A_69] {strides = array<i32>} : memref<128xi32, #tpu.memory_space<vmem>>, vector<16xi32>,
    %get3A_71 = vector.shape_cast %get3A_70 : vector<16xi32> to vector<16xi32>
    %mul3A_72 = arith.constant 32 : i32
    %mul3A_73 = vector.broadcast %mul3A_72 : i32 to vector<16xi32>
    %mul3A_74 = arith.muli %get3A_71, %mul3A_73 : vector<16xi32>
    %get3A_75 = arith.constant 48 : index
    %get3A_76 = tpu.vector_load %arg12[%get3A_75] {strides = array<i32>} : memref<128xi32, #tpu.memory_space<vmem>>, vector<16xi32>,
    %get3A_77 = vector.shape_cast %get3A_76 : vector<16xi32> to vector<16xi32>
    %add3A_78 = arith.addi %mul3A_74, %get3A_77 : vector<16xi32>
    %swap3A_79 = arith.constant 48 : index
    %swap3A_80 = tpu.vector_load %arg14[%swap3A_79] {strides = array<i32>} : memref<128xi32, #tpu.memory_space<vmem>>, vector<16xi32>,
    %swap3A_81 = vector.shape_cast %swap3A_80 : vector<16xi32> to vector<16xi32>
    %swap3A_82 = vector.shape_cast %add3A_78 : vector<16xi32> to vector<16xi32>
    tpu.vector_store %arg14[%swap3A_79], %swap3A_82 {strides = array<i32>} : memref<128xi32, #tpu.memory_space<vmem>>, vector<16xi32>,
    %get3A_83 = arith.constant 64 : index
    %get3A_84 = tpu.vector_load %arg10[%get3A_83] {strides = array<i32>} : memref<128xi32, #tpu.memory_space<vmem>>, vector<16xi32>,
    %get3A_85 = vector.shape_cast %get3A_84 : vector<16xi32> to vector<16xi32>
    %mul3A_86 = arith.constant 32 : i32
    %mul3A_87 = vector.broadcast %mul3A_86 : i32 to vector<16xi32>
    %mul3A_88 = arith.muli %get3A_85, %mul3A_87 : vector<16xi32>
    %get3A_89 = arith.constant 64 : index
    %get3A_90 = tpu.vector_load %arg12[%get3A_89] {strides = array<i32>} : memref<128xi32, #tpu.memory_space<vmem>>, vector<16xi32>,
    %get3A_91 = vector.shape_cast %get3A_90 : vector<16xi32> to vector<16xi32>
    %add3A_92 = arith.addi %mul3A_88, %get3A_91 : vector<16xi32>
    %swap3A_93 = arith.constant 64 : index
    %swap3A_94 = tpu.vector_load %arg14[%swap3A_93] {strides = array<i32>} : memref<128xi32, #tpu.memory_space<vmem>>, vector<16xi32>,
    %swap3A_95 = vector.shape_cast %swap3A_94 : vector<16xi32> to vector<16xi32>
    %swap3A_96 = vector.shape_cast %add3A_92 : vector<16xi32> to vector<16xi32>
    tpu.vector_store %arg14[%swap3A_93], %swap3A_96 {strides = array<i32>} : memref<128xi32, #tpu.memory_space<vmem>>, vector<16xi32>,
    %get3A_97 = arith.constant 80 : index
    %get3A_98 = tpu.vector_load %arg10[%get3A_97] {strides = array<i32>} : memref<128xi32, #tpu.memory_space<vmem>>, vector<16xi32>,
    %get3A_99 = vector.shape_cast %get3A_98 : vector<16xi32> to vector<16xi32>
    %mul3A_100 = arith.constant 32 : i32
    %mul3A_101 = vector.broadcast %mul3A_100 : i32 to vector<16xi32>
    %mul3A_102 = arith.muli %get3A_99, %mul3A_101 : vector<16xi32>
    %get3A_103 = arith.constant 80 : index
    %get3A_104 = tpu.vector_load %arg12[%get3A_103] {strides = array<i32>} : memref<128xi32, #tpu.memory_space<vmem>>, vector<16xi32>,
    %get3A_105 = vector.shape_cast %get3A_104 : vector<16xi32> to vector<16xi32>
    %add3A_106 = arith.addi %mul3A_102, %get3A_105 : vector<16xi32>
    %swap3A_107 = arith.constant 80 : index
    %swap3A_108 = tpu.vector_load %arg14[%swap3A_107] {strides = array<i32>} : memref<128xi32, #tpu.memory_space<vmem>>, vector<16xi32>,
    %swap3A_109 = vector.shape_cast %swap3A_108 : vector<16xi32> to vector<16xi32>
    %swap3A_110 = vector.shape_cast %add3A_106 : vector<16xi32> to vector<16xi32>
    tpu.vector_store %arg14[%swap3A_107], %swap3A_110 {strides = array<i32>} : memref<128xi32, #tpu.memory_space<vmem>>, vector<16xi32>,
    %get3A_111 = arith.constant 96 : index
    %get3A_112 = tpu.vector_load %arg10[%get3A_111] {strides = array<i32>} : memref<128xi32, #tpu.memory_space<vmem>>, vector<16xi32>,
    %get3A_113 = vector.shape_cast %get3A_112 : vector<16xi32> to vector<16xi32>
    %mul3A_114 = arith.constant 32 : i32
    %mul3A_115 = vector.broadcast %mul3A_114 : i32 to vector<16xi32>
    %mul3A_116 = arith.muli %get3A_113, %mul3A_115 : vector<16xi32>
    %get3A_117 = arith.constant 96 : index
    %get3A_118 = tpu.vector_load %arg12[%get3A_117] {strides = array<i32>} : memref<128xi32, #tpu.memory_space<vmem>>, vector<16xi32>,
    %get3A_119 = vector.shape_cast %get3A_118 : vector<16xi32> to vector<16xi32>
    %add3A_120 = arith.addi %mul3A_116, %get3A_119 : vector<16xi32>
    %swap3A_121 = arith.constant 96 : index
    %swap3A_122 = tpu.vector_load %arg14[%swap3A_121] {strides = array<i32>} : memref<128xi32, #tpu.memory_space<vmem>>, vector<16xi32>,
    %swap3A_123 = vector.shape_cast %swap3A_122 : vector<16xi32> to vector<16xi32>
    %swap3A_124 = vector.shape_cast %add3A_120 : vector<16xi32> to vector<16xi32>
    tpu.vector_store %arg14[%swap3A_121], %swap3A_124 {strides = array<i32>} : memref<128xi32, #tpu.memory_space<vmem>>, vector<16xi32>,
    %get3A_125 = arith.constant 112 : index
    %get3A_126 = tpu.vector_load %arg10[%get3A_125] {strides = array<i32>} : memref<128xi32, #tpu.memory_space<vmem>>, vector<16xi32>,
    %get3A_127 = vector.shape_cast %get3A_126 : vector<16xi32> to vector<16xi32>
    %mul3A_128 = arith.constant 32 : i32
    %mul3A_129 = vector.broadcast %mul3A_128 : i32 to vector<16xi32>
    %mul3A_130 = arith.muli %get3A_127, %mul3A_129 : vector<16xi32>
    %get3A_131 = arith.constant 112 : index
    %get3A_132 = tpu.vector_load %arg12[%get3A_131] {strides = array<i32>} : memref<128xi32, #tpu.memory_space<vmem>>, vector<16xi32>,
    %get3A_133 = vector.shape_cast %get3A_132 : vector<16xi32> to vector<16xi32>
    %add3A_134 = arith.addi %mul3A_130, %get3A_133 : vector<16xi32>
    %swap3A_135 = arith.constant 112 : index
    %swap3A_136 = tpu.vector_load %arg14[%swap3A_135] {strides = array<i32>} : memref<128xi32, #tpu.memory_space<vmem>>, vector<16xi32>,
    %swap3A_137 = vector.shape_cast %swap3A_136 : vector<16xi32> to vector<16xi32>
    %swap3A_138 = vector.shape_cast %add3A_134 : vector<16xi32> to vector<16xi32>
    tpu.vector_store %arg14[%swap3A_135], %swap3A_138 {strides = array<i32>} : memref<128xi32, #tpu.memory_space<vmem>>, vector<16xi32>,
    %dma_start3A_139 = arith.constant 0 : i32
    %dma_start3A_140 = arith.constant 0 : i32
    %dma_start3A_141 = tpu.memref_slice %arg5[%dma_start3A_139, %dma_start3A_140] : memref<100000x128xf32, #tpu.memory_space<hbm>> -> memref<100000x128xf32, #tpu.memory_space<hbm>>
    tpu.enqueue_indirect_dma source(%dma_start3A_141 : memref<100000x128xf32, #tpu.memory_space<hbm>>) target(%arg16 : memref<128x128xf32, #tpu.memory_space<vmem>>) offsets(%arg8 : memref<128xi32, #tpu.memory_space<vmem>>) semaphore(%arg22 : memref<!tpu.dma_semaphore, #tpu.memory_space<semaphore_mem>>)
    %dma_start3A_142 = arith.constant 0 : i32
    %dma_start3A_143 = arith.constant 0 : i32
    %dma_start3A_144 = tpu.memref_slice %arg6[%dma_start3A_142, %dma_start3A_143] : memref<416x128xf32, #tpu.memory_space<hbm>> -> memref<416x128xf32, #tpu.memory_space<hbm>>
    tpu.enqueue_indirect_dma source(%dma_start3A_144 : memref<416x128xf32, #tpu.memory_space<hbm>>) target(%arg18 : memref<128x128xf32, #tpu.memory_space<vmem>>) offsets(%arg14 : memref<128xi32, #tpu.memory_space<vmem>>) semaphore(%arg22 : memref<!tpu.dma_semaphore, #tpu.memory_space<semaphore_mem>>)
    %dma_wait3A_145 = arith.constant 0 : i32
    %dma_wait3A_146 = tpu.memref_slice %arg2[%dma_wait3A_145] : memref<3276800xi32, #tpu.memory_space<hbm>> -> memref<128xi32, #tpu.memory_space<hbm>>
    %dma_wait3A_147 = arith.constant 0 : i32
    %dma_wait3A_148 = tpu.memref_slice %arg2[%dma_wait3A_147] : memref<3276800xi32, #tpu.memory_space<hbm>> -> memref<128xi32, #tpu.memory_space<hbm>>
    tpu.wait_dma2 semaphore(%arg21 : memref<!tpu.dma_semaphore, #tpu.memory_space<semaphore_mem>>) src(%dma_wait3A_148 : memref<128xi32, #tpu.memory_space<hbm>>) dst(%arg9 : memref<128xi32, #tpu.memory_space<vmem>>)
    %dma_wait3A_149 = arith.constant 0 : i32
    %dma_wait3A_150 = tpu.memref_slice %arg3[%dma_wait3A_149] : memref<3276800xi32, #tpu.memory_space<hbm>> -> memref<128xi32, #tpu.memory_space<hbm>>
    %dma_wait3A_151 = arith.constant 0 : i32
    %dma_wait3A_152 = tpu.memref_slice %arg3[%dma_wait3A_151] : memref<3276800xi32, #tpu.memory_space<hbm>> -> memref<128xi32, #tpu.memory_space<hbm>>
    tpu.wait_dma2 semaphore(%arg21 : memref<!tpu.dma_semaphore, #tpu.memory_space<semaphore_mem>>) src(%dma_wait3A_152 : memref<128xi32, #tpu.memory_space<hbm>>) dst(%arg11 : memref<128xi32, #tpu.memory_space<vmem>>)
    %dma_wait3A_153 = arith.constant 0 : i32
    %dma_wait3A_154 = tpu.memref_slice %arg4[%dma_wait3A_153] : memref<3276800xi32, #tpu.memory_space<hbm>> -> memref<128xi32, #tpu.memory_space<hbm>>
    %dma_wait3A_155 = arith.constant 0 : i32
    %dma_wait3A_156 = tpu.memref_slice %arg4[%dma_wait3A_155] : memref<3276800xi32, #tpu.memory_space<hbm>> -> memref<128xi32, #tpu.memory_space<hbm>>
    tpu.wait_dma2 semaphore(%arg21 : memref<!tpu.dma_semaphore, #tpu.memory_space<semaphore_mem>>) src(%dma_wait3A_156 : memref<128xi32, #tpu.memory_space<hbm>>) dst(%arg13 : memref<128xi32, #tpu.memory_space<vmem>>)
    %get3A_157 = arith.constant 0 : index
    %get3A_158 = tpu.vector_load %arg11[%get3A_157] {strides = array<i32>} : memref<128xi32, #tpu.memory_space<vmem>>, vector<16xi32>,
    %get3A_159 = vector.shape_cast %get3A_158 : vector<16xi32> to vector<16xi32>
    %mul3A_160 = arith.constant 32 : i32
    %mul3A_161 = vector.broadcast %mul3A_160 : i32 to vector<16xi32>
    %mul3A_162 = arith.muli %get3A_159, %mul3A_161 : vector<16xi32>
    %get3A_163 = arith.constant 0 : index
    %get3A_164 = tpu.vector_load %arg13[%get3A_163] {strides = array<i32>} : memref<128xi32, #tpu.memory_space<vmem>>, vector<16xi32>,
    %get3A_165 = vector.shape_cast %get3A_164 : vector<16xi32> to vector<16xi32>
    %add3A_166 = arith.addi %mul3A_162, %get3A_165 : vector<16xi32>
    %swap3A_167 = arith.constant 0 : index
    %swap3A_168 = tpu.vector_load %arg15[%swap3A_167] {strides = array<i32>} : memref<128xi32, #tpu.memory_space<vmem>>, vector<16xi32>,
    %swap3A_169 = vector.shape_cast %swap3A_168 : vector<16xi32> to vector<16xi32>
    %swap3A_170 = vector.shape_cast %add3A_166 : vector<16xi32> to vector<16xi32>
    tpu.vector_store %arg15[%swap3A_167], %swap3A_170 {strides = array<i32>} : memref<128xi32, #tpu.memory_space<vmem>>, vector<16xi32>,
    %get3A_171 = arith.constant 16 : index
    %get3A_172 = tpu.vector_load %arg11[%get3A_171] {strides = array<i32>} : memref<128xi32, #tpu.memory_space<vmem>>, vector<16xi32>,
    %get3A_173 = vector.shape_cast %get3A_172 : vector<16xi32> to vector<16xi32>
    %mul3A_174 = arith.constant 32 : i32
    %mul3A_175 = vector.broadcast %mul3A_174 : i32 to vector<16xi32>
    %mul3A_176 = arith.muli %get3A_173, %mul3A_175 : vector<16xi32>
    %get3A_177 = arith.constant 16 : index
    %get3A_178 = tpu.vector_load %arg13[%get3A_177] {strides = array<i32>} : memref<128xi32, #tpu.memory_space<vmem>>, vector<16xi32>,
    %get3A_179 = vector.shape_cast %get3A_178 : vector<16xi32> to vector<16xi32>
    %add3A_180 = arith.addi %mul3A_176, %get3A_179 : vector<16xi32>
    %swap3A_181 = arith.constant 16 : index
    %swap3A_182 = tpu.vector_load %arg15[%swap3A_181] {strides = array<i32>} : memref<128xi32, #tpu.memory_space<vmem>>, vector<16xi32>,
    %swap3A_183 = vector.shape_cast %swap3A_182 : vector<16xi32> to vector<16xi32>
    %swap3A_184 = vector.shape_cast %add3A_180 : vector<16xi32> to vector<16xi32>
    tpu.vector_store %arg15[%swap3A_181], %swap3A_184 {strides = array<i32>} : memref<128xi32, #tpu.memory_space<vmem>>, vector<16xi32>,
    %get3A_185 = arith.constant 32 : index
    %get3A_186 = tpu.vector_load %arg11[%get3A_185] {strides = array<i32>} : memref<128xi32, #tpu.memory_space<vmem>>, vector<16xi32>,
    %get3A_187 = vector.shape_cast %get3A_186 : vector<16xi32> to vector<16xi32>
    %mul3A_188 = arith.constant 32 : i32
    %mul3A_189 = vector.broadcast %mul3A_188 : i32 to vector<16xi32>
    %mul3A_190 = arith.muli %get3A_187, %mul3A_189 : vector<16xi32>
    %get3A_191 = arith.constant 32 : index
    %get3A_192 = tpu.vector_load %arg13[%get3A_191] {strides = array<i32>} : memref<128xi32, #tpu.memory_space<vmem>>, vector<16xi32>,
    %get3A_193 = vector.shape_cast %get3A_192 : vector<16xi32> to vector<16xi32>
    %add3A_194 = arith.addi %mul3A_190, %get3A_193 : vector<16xi32>
    %swap3A_195 = arith.constant 32 : index
    %swap3A_196 = tpu.vector_load %arg15[%swap3A_195] {strides = array<i32>} : memref<128xi32, #tpu.memory_space<vmem>>, vector<16xi32>,
    %swap3A_197 = vector.shape_cast %swap3A_196 : vector<16xi32> to vector<16xi32>
    %swap3A_198 = vector.shape_cast %add3A_194 : vector<16xi32> to vector<16xi32>
    tpu.vector_store %arg15[%swap3A_195], %swap3A_198 {strides = array<i32>} : memref<128xi32, #tpu.memory_space<vmem>>, vector<16xi32>,
    %get3A_199 = arith.constant 48 : index
    %get3A_200 = tpu.vector_load %arg11[%get3A_199] {strides = array<i32>} : memref<128xi32, #tpu.memory_space<vmem>>, vector<16xi32>,
    %get3A_201 = vector.shape_cast %get3A_200 : vector<16xi32> to vector<16xi32>
    %mul3A_202 = arith.constant 32 : i32
    %mul3A_203 = vector.broadcast %mul3A_202 : i32 to vector<16xi32>
    %mul3A_204 = arith.muli %get3A_201, %mul3A_203 : vector<16xi32>
    %get3A_205 = arith.constant 48 : index
    %get3A_206 = tpu.vector_load %arg13[%get3A_205] {strides = array<i32>} : memref<128xi32, #tpu.memory_space<vmem>>, vector<16xi32>,
    %get3A_207 = vector.shape_cast %get3A_206 : vector<16xi32> to vector<16xi32>
    %add3A_208 = arith.addi %mul3A_204, %get3A_207 : vector<16xi32>
    %swap3A_209 = arith.constant 48 : index
    %swap3A_210 = tpu.vector_load %arg15[%swap3A_209] {strides = array<i32>} : memref<128xi32, #tpu.memory_space<vmem>>, vector<16xi32>,
    %swap3A_211 = vector.shape_cast %swap3A_210 : vector<16xi32> to vector<16xi32>
    %swap3A_212 = vector.shape_cast %add3A_208 : vector<16xi32> to vector<16xi32>
    tpu.vector_store %arg15[%swap3A_209], %swap3A_212 {strides = array<i32>} : memref<128xi32, #tpu.memory_space<vmem>>, vector<16xi32>,
    %get3A_213 = arith.constant 64 : index
    %get3A_214 = tpu.vector_load %arg11[%get3A_213] {strides = array<i32>} : memref<128xi32, #tpu.memory_space<vmem>>, vector<16xi32>,
    %get3A_215 = vector.shape_cast %get3A_214 : vector<16xi32> to vector<16xi32>
    %mul3A_216 = arith.constant 32 : i32
    %mul3A_217 = vector.broadcast %mul3A_216 : i32 to vector<16xi32>
    %mul3A_218 = arith.muli %get3A_215, %mul3A_217 : vector<16xi32>
    %get3A_219 = arith.constant 64 : index
    %get3A_220 = tpu.vector_load %arg13[%get3A_219] {strides = array<i32>} : memref<128xi32, #tpu.memory_space<vmem>>, vector<16xi32>,
    %get3A_221 = vector.shape_cast %get3A_220 : vector<16xi32> to vector<16xi32>
    %add3A_222 = arith.addi %mul3A_218, %get3A_221 : vector<16xi32>
    %swap3A_223 = arith.constant 64 : index
    %swap3A_224 = tpu.vector_load %arg15[%swap3A_223] {strides = array<i32>} : memref<128xi32, #tpu.memory_space<vmem>>, vector<16xi32>,
    %swap3A_225 = vector.shape_cast %swap3A_224 : vector<16xi32> to vector<16xi32>
    %swap3A_226 = vector.shape_cast %add3A_222 : vector<16xi32> to vector<16xi32>
    tpu.vector_store %arg15[%swap3A_223], %swap3A_226 {strides = array<i32>} : memref<128xi32, #tpu.memory_space<vmem>>, vector<16xi32>,
    %get3A_227 = arith.constant 80 : index
    %get3A_228 = tpu.vector_load %arg11[%get3A_227] {strides = array<i32>} : memref<128xi32, #tpu.memory_space<vmem>>, vector<16xi32>,
    %get3A_229 = vector.shape_cast %get3A_228 : vector<16xi32> to vector<16xi32>
    %mul3A_230 = arith.constant 32 : i32
    %mul3A_231 = vector.broadcast %mul3A_230 : i32 to vector<16xi32>
    %mul3A_232 = arith.muli %get3A_229, %mul3A_231 : vector<16xi32>
    %get3A_233 = arith.constant 80 : index
    %get3A_234 = tpu.vector_load %arg13[%get3A_233] {strides = array<i32>} : memref<128xi32, #tpu.memory_space<vmem>>, vector<16xi32>,
    %get3A_235 = vector.shape_cast %get3A_234 : vector<16xi32> to vector<16xi32>
    %add3A_236 = arith.addi %mul3A_232, %get3A_235 : vector<16xi32>
    %swap3A_237 = arith.constant 80 : index
    %swap3A_238 = tpu.vector_load %arg15[%swap3A_237] {strides = array<i32>} : memref<128xi32, #tpu.memory_space<vmem>>, vector<16xi32>,
    %swap3A_239 = vector.shape_cast %swap3A_238 : vector<16xi32> to vector<16xi32>
    %swap3A_240 = vector.shape_cast %add3A_236 : vector<16xi32> to vector<16xi32>
    tpu.vector_store %arg15[%swap3A_237], %swap3A_240 {strides = array<i32>} : memref<128xi32, #tpu.memory_space<vmem>>, vector<16xi32>,
    %get3A_241 = arith.constant 96 : index
    %get3A_242 = tpu.vector_load %arg11[%get3A_241] {strides = array<i32>} : memref<128xi32, #tpu.memory_space<vmem>>, vector<16xi32>,
    %get3A_243 = vector.shape_cast %get3A_242 : vector<16xi32> to vector<16xi32>
    %mul3A_244 = arith.constant 32 : i32
    %mul3A_245 = vector.broadcast %mul3A_244 : i32 to vector<16xi32>
    %mul3A_246 = arith.muli %get3A_243, %mul3A_245 : vector<16xi32>
    %get3A_247 = arith.constant 96 : index
    %get3A_248 = tpu.vector_load %arg13[%get3A_247] {strides = array<i32>} : memref<128xi32, #tpu.memory_space<vmem>>, vector<16xi32>,
    %get3A_249 = vector.shape_cast %get3A_248 : vector<16xi32> to vector<16xi32>
    %add3A_250 = arith.addi %mul3A_246, %get3A_249 : vector<16xi32>
    %swap3A_251 = arith.constant 96 : index
    %swap3A_252 = tpu.vector_load %arg15[%swap3A_251] {strides = array<i32>} : memref<128xi32, #tpu.memory_space<vmem>>, vector<16xi32>,
    %swap3A_253 = vector.shape_cast %swap3A_252 : vector<16xi32> to vector<16xi32>
    %swap3A_254 = vector.shape_cast %add3A_250 : vector<16xi32> to vector<16xi32>
    tpu.vector_store %arg15[%swap3A_251], %swap3A_254 {strides = array<i32>} : memref<128xi32, #tpu.memory_space<vmem>>, vector<16xi32>,
    %get3A_255 = arith.constant 112 : index
    %get3A_256 = tpu.vector_load %arg11[%get3A_255] {strides = array<i32>} : memref<128xi32, #tpu.memory_space<vmem>>, vector<16xi32>,
    %get3A_257 = vector.shape_cast %get3A_256 : vector<16xi32> to vector<16xi32>
    %mul3A_258 = arith.constant 32 : i32
    %mul3A_259 = vector.broadcast %mul3A_258 : i32 to vector<16xi32>
    %mul3A_260 = arith.muli %get3A_257, %mul3A_259 : vector<16xi32>
    %get3A_261 = arith.constant 112 : index
    %get3A_262 = tpu.vector_load %arg13[%get3A_261] {strides = array<i32>} : memref<128xi32, #tpu.memory_space<vmem>>, vector<16xi32>,
    %get3A_263 = vector.shape_cast %get3A_262 : vector<16xi32> to vector<16xi32>
    %add3A_264 = arith.addi %mul3A_260, %get3A_263 : vector<16xi32>
    %swap3A_265 = arith.constant 112 : index
    %swap3A_266 = tpu.vector_load %arg15[%swap3A_265] {strides = array<i32>} : memref<128xi32, #tpu.memory_space<vmem>>, vector<16xi32>,
    %swap3A_267 = vector.shape_cast %swap3A_266 : vector<16xi32> to vector<16xi32>
    %swap3A_268 = vector.shape_cast %add3A_264 : vector<16xi32> to vector<16xi32>
    tpu.vector_store %arg15[%swap3A_265], %swap3A_268 {strides = array<i32>} : memref<128xi32, #tpu.memory_space<vmem>>, vector<16xi32>,
    %dma_start3A_269 = arith.constant 0 : i32
    %dma_start3A_270 = arith.constant 0 : i32
    %dma_start3A_271 = tpu.memref_slice %arg5[%dma_start3A_269, %dma_start3A_270] : memref<100000x128xf32, #tpu.memory_space<hbm>> -> memref<100000x128xf32, #tpu.memory_space<hbm>>
    tpu.enqueue_indirect_dma source(%dma_start3A_271 : memref<100000x128xf32, #tpu.memory_space<hbm>>) target(%arg17 : memref<128x128xf32, #tpu.memory_space<vmem>>) offsets(%arg9 : memref<128xi32, #tpu.memory_space<vmem>>) semaphore(%arg23 : memref<!tpu.dma_semaphore, #tpu.memory_space<semaphore_mem>>)
    %dma_start3A_272 = arith.constant 0 : i32
    %dma_start3A_273 = arith.constant 0 : i32
    %dma_start3A_274 = tpu.memref_slice %arg6[%dma_start3A_272, %dma_start3A_273] : memref<416x128xf32, #tpu.memory_space<hbm>> -> memref<416x128xf32, #tpu.memory_space<hbm>>
    tpu.enqueue_indirect_dma source(%dma_start3A_274 : memref<416x128xf32, #tpu.memory_space<hbm>>) target(%arg19 : memref<128x128xf32, #tpu.memory_space<vmem>>) offsets(%arg15 : memref<128xi32, #tpu.memory_space<vmem>>) semaphore(%arg23 : memref<!tpu.dma_semaphore, #tpu.memory_space<semaphore_mem>>)
    %dma_wait3A_275 = arith.constant 0 : i32
    %dma_wait3A_276 = arith.constant 0 : i32
    %dma_wait3A_277 = tpu.memref_slice %arg5[%dma_wait3A_275, %dma_wait3A_276] : memref<100000x128xf32, #tpu.memory_space<hbm>> -> memref<100000x128xf32, #tpu.memory_space<hbm>>
    tpu.wait_indirect_dma semaphore(%arg22 : memref<!tpu.dma_semaphore, #tpu.memory_space<semaphore_mem>>) src(%dma_wait3A_277 : memref<100000x128xf32, #tpu.memory_space<hbm>>) dst(%arg16 : memref<128x128xf32, #tpu.memory_space<vmem>>)
    %dma_wait3A_278 = arith.constant 0 : i32
    %dma_wait3A_279 = arith.constant 0 : i32
    %dma_wait3A_280 = tpu.memref_slice %arg6[%dma_wait3A_278, %dma_wait3A_279] : memref<416x128xf32, #tpu.memory_space<hbm>> -> memref<416x128xf32, #tpu.memory_space<hbm>>
    tpu.wait_indirect_dma semaphore(%arg22 : memref<!tpu.dma_semaphore, #tpu.memory_space<semaphore_mem>>) src(%dma_wait3A_280 : memref<416x128xf32, #tpu.memory_space<hbm>>) dst(%arg18 : memref<128x128xf32, #tpu.memory_space<vmem>>)
    %add3A_281 = arith.constant 256 : i32
    %add3A_282 = arith.addi %mul3A_2, %add3A_281 : i32
    %dma_start3A_283 = tpu.memref_slice %arg2[%add3A_282] : memref<3276800xi32, #tpu.memory_space<hbm>> -> memref<128xi32, #tpu.memory_space<hbm>>
    %dma_start3A_284 = tpu.memref_slice %arg2[%add3A_282] : memref<3276800xi32, #tpu.memory_space<hbm>> -> memref<128xi32, #tpu.memory_space<hbm>>
    tpu.enqueue_dma source(%dma_start3A_284 : memref<128xi32, #tpu.memory_space<hbm>>) target(%arg8 : memref<128xi32, #tpu.memory_space<vmem>>) target_semaphore(%arg20 : memref<!tpu.dma_semaphore, #tpu.memory_space<semaphore_mem>>)
    %dma_start3A_285 = tpu.memref_slice %arg3[%add3A_282] : memref<3276800xi32, #tpu.memory_space<hbm>> -> memref<128xi32, #tpu.memory_space<hbm>>
    %dma_start3A_286 = tpu.memref_slice %arg3[%add3A_282] : memref<3276800xi32, #tpu.memory_space<hbm>> -> memref<128xi32, #tpu.memory_space<hbm>>
    tpu.enqueue_dma source(%dma_start3A_286 : memref<128xi32, #tpu.memory_space<hbm>>) target(%arg10 : memref<128xi32, #tpu.memory_space<vmem>>) target_semaphore(%arg20 : memref<!tpu.dma_semaphore, #tpu.memory_space<semaphore_mem>>)
    %dma_start3A_287 = tpu.memref_slice %arg4[%add3A_282] : memref<3276800xi32, #tpu.memory_space<hbm>> -> memref<128xi32, #tpu.memory_space<hbm>>
    %dma_start3A_288 = tpu.memref_slice %arg4[%add3A_282] : memref<3276800xi32, #tpu.memory_space<hbm>> -> memref<128xi32, #tpu.memory_space<hbm>>
    tpu.enqueue_dma source(%dma_start3A_288 : memref<128xi32, #tpu.memory_space<hbm>>) target(%arg12 : memref<128xi32, #tpu.memory_space<vmem>>) target_semaphore(%arg20 : memref<!tpu.dma_semaphore, #tpu.memory_space<semaphore_mem>>)
    %scan3A = arith.constant 0 : i32
    %scan3A_289 = arith.constant 128 : i32
    %scan3A_290 = arith.addi %scan3A, %scan3A_289 : i32
    %scan3A_291 = arith.constant 1 : i32
    scf.for %scan3A_647 = %scan3A to %scan3A_290 step %scan3A_291  : i32 {
      %mul3A_648 = arith.constant 1 : i32
      %mul3A_649 = arith.muli %scan3A_647, %mul3A_648 : i32
      %add3A_650 = arith.constant 0 : i32
      %add3A_651 = arith.addi %add3A_650, %mul3A_649 : i32
      %get3A_652 = arith.index_cast %add3A_651 : i32 to index
      %get3A_653 = arith.constant 0 : index
      %get3A_654 = tpu.vector_load %arg18[%get3A_652, %get3A_653] {strides = array<i32>} : memref<128x128xf32, #tpu.memory_space<vmem>>, vector<1x16xf32>,
      %get3A_655 = vector.shape_cast %get3A_654 : vector<1x16xf32> to vector<16xf32>
      %swap3A_656 = arith.index_cast %add3A_651 : i32 to index
      %swap3A_657 = arith.constant 0 : index
      %swap3A_658 = tpu.vector_load %arg16[%swap3A_656, %swap3A_657] {strides = array<i32>} : memref<128x128xf32, #tpu.memory_space<vmem>>, vector<1x16xf32>,
      %swap3A_659 = vector.shape_cast %swap3A_658 : vector<1x16xf32> to vector<16xf32>
      %swap3A_660 = vector.shape_cast %get3A_655 : vector<16xf32> to vector<1x16xf32>
      tpu.vector_store %arg16[%swap3A_656, %swap3A_657], %swap3A_660 {add = true, strides = array<i32>} : memref<128x128xf32, #tpu.memory_space<vmem>>, vector<1x16xf32>,
      %get3A_661 = arith.index_cast %add3A_651 : i32 to index
      %get3A_662 = arith.constant 16 : index
      %get3A_663 = tpu.vector_load %arg18[%get3A_661, %get3A_662] {strides = array<i32>} : memref<128x128xf32, #tpu.memory_space<vmem>>, vector<1x16xf32>,
      %get3A_664 = vector.shape_cast %get3A_663 : vector<1x16xf32> to vector<16xf32>
      %swap3A_665 = arith.index_cast %add3A_651 : i32 to index
      %swap3A_666 = arith.constant 16 : index
      %swap3A_667 = tpu.vector_load %arg16[%swap3A_665, %swap3A_666] {strides = array<i32>} : memref<128x128xf32, #tpu.memory_space<vmem>>, vector<1x16xf32>,
      %swap3A_668 = vector.shape_cast %swap3A_667 : vector<1x16xf32> to vector<16xf32>
      %swap3A_669 = vector.shape_cast %get3A_664 : vector<16xf32> to vector<1x16xf32>
      tpu.vector_store %arg16[%swap3A_665, %swap3A_666], %swap3A_669 {add = true, strides = array<i32>} : memref<128x128xf32, #tpu.memory_space<vmem>>, vector<1x16xf32>,
      %get3A_670 = arith.index_cast %add3A_651 : i32 to index
      %get3A_671 = arith.constant 32 : index
      %get3A_672 = tpu.vector_load %arg18[%get3A_670, %get3A_671] {strides = array<i32>} : memref<128x128xf32, #tpu.memory_space<vmem>>, vector<1x16xf32>,
      %get3A_673 = vector.shape_cast %get3A_672 : vector<1x16xf32> to vector<16xf32>
      %swap3A_674 = arith.index_cast %add3A_651 : i32 to index
      %swap3A_675 = arith.constant 32 : index
      %swap3A_676 = tpu.vector_load %arg16[%swap3A_674, %swap3A_675] {strides = array<i32>} : memref<128x128xf32, #tpu.memory_space<vmem>>, vector<1x16xf32>,
      %swap3A_677 = vector.shape_cast %swap3A_676 : vector<1x16xf32> to vector<16xf32>
      %swap3A_678 = vector.shape_cast %get3A_673 : vector<16xf32> to vector<1x16xf32>
      tpu.vector_store %arg16[%swap3A_674, %swap3A_675], %swap3A_678 {add = true, strides = array<i32>} : memref<128x128xf32, #tpu.memory_space<vmem>>, vector<1x16xf32>,
      %get3A_679 = arith.index_cast %add3A_651 : i32 to index
      %get3A_680 = arith.constant 48 : index
      %get3A_681 = tpu.vector_load %arg18[%get3A_679, %get3A_680] {strides = array<i32>} : memref<128x128xf32, #tpu.memory_space<vmem>>, vector<1x16xf32>,
      %get3A_682 = vector.shape_cast %get3A_681 : vector<1x16xf32> to vector<16xf32>
      %swap3A_683 = arith.index_cast %add3A_651 : i32 to index
      %swap3A_684 = arith.constant 48 : index
      %swap3A_685 = tpu.vector_load %arg16[%swap3A_683, %swap3A_684] {strides = array<i32>} : memref<128x128xf32, #tpu.memory_space<vmem>>, vector<1x16xf32>,
      %swap3A_686 = vector.shape_cast %swap3A_685 : vector<1x16xf32> to vector<16xf32>
      %swap3A_687 = vector.shape_cast %get3A_682 : vector<16xf32> to vector<1x16xf32>
      tpu.vector_store %arg16[%swap3A_683, %swap3A_684], %swap3A_687 {add = true, strides = array<i32>} : memref<128x128xf32, #tpu.memory_space<vmem>>, vector<1x16xf32>,
      %get3A_688 = arith.index_cast %add3A_651 : i32 to index
      %get3A_689 = arith.constant 64 : index
      %get3A_690 = tpu.vector_load %arg18[%get3A_688, %get3A_689] {strides = array<i32>} : memref<128x128xf32, #tpu.memory_space<vmem>>, vector<1x16xf32>,
      %get3A_691 = vector.shape_cast %get3A_690 : vector<1x16xf32> to vector<16xf32>
      %swap3A_692 = arith.index_cast %add3A_651 : i32 to index
      %swap3A_693 = arith.constant 64 : index
      %swap3A_694 = tpu.vector_load %arg16[%swap3A_692, %swap3A_693] {strides = array<i32>} : memref<128x128xf32, #tpu.memory_space<vmem>>, vector<1x16xf32>,
      %swap3A_695 = vector.shape_cast %swap3A_694 : vector<1x16xf32> to vector<16xf32>
      %swap3A_696 = vector.shape_cast %get3A_691 : vector<16xf32> to vector<1x16xf32>
      tpu.vector_store %arg16[%swap3A_692, %swap3A_693], %swap3A_696 {add = true, strides = array<i32>} : memref<128x128xf32, #tpu.memory_space<vmem>>, vector<1x16xf32>,
      %get3A_697 = arith.index_cast %add3A_651 : i32 to index
      %get3A_698 = arith.constant 80 : index
      %get3A_699 = tpu.vector_load %arg18[%get3A_697, %get3A_698] {strides = array<i32>} : memref<128x128xf32, #tpu.memory_space<vmem>>, vector<1x16xf32>,
      %get3A_700 = vector.shape_cast %get3A_699 : vector<1x16xf32> to vector<16xf32>
      %swap3A_701 = arith.index_cast %add3A_651 : i32 to index
      %swap3A_702 = arith.constant 80 : index
      %swap3A_703 = tpu.vector_load %arg16[%swap3A_701, %swap3A_702] {strides = array<i32>} : memref<128x128xf32, #tpu.memory_space<vmem>>, vector<1x16xf32>,
      %swap3A_704 = vector.shape_cast %swap3A_703 : vector<1x16xf32> to vector<16xf32>
      %swap3A_705 = vector.shape_cast %get3A_700 : vector<16xf32> to vector<1x16xf32>
      tpu.vector_store %arg16[%swap3A_701, %swap3A_702], %swap3A_705 {add = true, strides = array<i32>} : memref<128x128xf32, #tpu.memory_space<vmem>>, vector<1x16xf32>,
      %get3A_706 = arith.index_cast %add3A_651 : i32 to index
      %get3A_707 = arith.constant 96 : index
      %get3A_708 = tpu.vector_load %arg18[%get3A_706, %get3A_707] {strides = array<i32>} : memref<128x128xf32, #tpu.memory_space<vmem>>, vector<1x16xf32>,
      %get3A_709 = vector.shape_cast %get3A_708 : vector<1x16xf32> to vector<16xf32>
      %swap3A_710 = arith.index_cast %add3A_651 : i32 to index
      %swap3A_711 = arith.constant 96 : index
      %swap3A_712 = tpu.vector_load %arg16[%swap3A_710, %swap3A_711] {strides = array<i32>} : memref<128x128xf32, #tpu.memory_space<vmem>>, vector<1x16xf32>,
      %swap3A_713 = vector.shape_cast %swap3A_712 : vector<1x16xf32> to vector<16xf32>
      %swap3A_714 = vector.shape_cast %get3A_709 : vector<16xf32> to vector<1x16xf32>
      tpu.vector_store %arg16[%swap3A_710, %swap3A_711], %swap3A_714 {add = true, strides = array<i32>} : memref<128x128xf32, #tpu.memory_space<vmem>>, vector<1x16xf32>,
      %get3A_715 = arith.index_cast %add3A_651 : i32 to index
      %get3A_716 = arith.constant 112 : index
      %get3A_717 = tpu.vector_load %arg18[%get3A_715, %get3A_716] {strides = array<i32>} : memref<128x128xf32, #tpu.memory_space<vmem>>, vector<1x16xf32>,
      %get3A_718 = vector.shape_cast %get3A_717 : vector<1x16xf32> to vector<16xf32>
      %swap3A_719 = arith.index_cast %add3A_651 : i32 to index
      %swap3A_720 = arith.constant 112 : index
      %swap3A_721 = tpu.vector_load %arg16[%swap3A_719, %swap3A_720] {strides = array<i32>} : memref<128x128xf32, #tpu.memory_space<vmem>>, vector<1x16xf32>,
      %swap3A_722 = vector.shape_cast %swap3A_721 : vector<1x16xf32> to vector<16xf32>
      %swap3A_723 = vector.shape_cast %get3A_718 : vector<16xf32> to vector<1x16xf32>
      tpu.vector_store %arg16[%swap3A_719, %swap3A_720], %swap3A_723 {add = true, strides = array<i32>} : memref<128x128xf32, #tpu.memory_space<vmem>>, vector<1x16xf32>,
    }
    %scan3A_292 = arith.constant 128 : i32
    %add3A_293 = arith.constant 0 : i32
    %add3A_294 = arith.addi %mul3A_2, %add3A_293 : i32
    %dma_start3A_295 = arith.constant 0 : i32
    %dma_start3A_296 = tpu.memref_slice %arg7[%add3A_294, %dma_start3A_295] : memref<3276800x128xf32, #tpu.memory_space<hbm>> -> memref<128x128xf32, #tpu.memory_space<hbm>>
    %dma_start3A_297 = arith.constant 0 : i32
    %dma_start3A_298 = tpu.memref_slice %arg7[%add3A_294, %dma_start3A_297] : memref<3276800x128xf32, #tpu.memory_space<hbm>> -> memref<128x128xf32, #tpu.memory_space<hbm>>
    tpu.enqueue_dma source(%arg16 : memref<128x128xf32, #tpu.memory_space<vmem>>) target(%dma_start3A_298 : memref<128x128xf32, #tpu.memory_space<hbm>>) target_semaphore(%arg24 : memref<!tpu.dma_semaphore, #tpu.memory_space<semaphore_mem>>)
    %scan3A_299 = arith.constant 0 : i32
    %scan3A_300 = arith.constant 398 : i32
    %scan3A_301 = arith.addi %scan3A_299, %scan3A_300 : i32
    %scan3A_302 = arith.constant 1 : i32
    scf.for %scan3A_647 = %scan3A_299 to %scan3A_301 step %scan3A_302  : i32 {
      %mul3A_648 = arith.constant 2 : i32
      %mul3A_649 = arith.muli %scan3A_647, %mul3A_648 : i32
      %add3A_650 = arith.constant 1 : i32
      %add3A_651 = arith.addi %add3A_650, %mul3A_649 : i32
      %dma_wait3A_652 = arith.constant 0 : i32
      %dma_wait3A_653 = tpu.memref_slice %arg2[%dma_wait3A_652] : memref<3276800xi32, #tpu.memory_space<hbm>> -> memref<128xi32, #tpu.memory_space<hbm>>
      %dma_wait3A_654 = arith.constant 0 : i32
      %dma_wait3A_655 = tpu.memref_slice %arg2[%dma_wait3A_654] : memref<3276800xi32, #tpu.memory_space<hbm>> -> memref<128xi32, #tpu.memory_space<hbm>>
      tpu.wait_dma2 semaphore(%arg20 : memref<!tpu.dma_semaphore, #tpu.memory_space<semaphore_mem>>) src(%dma_wait3A_655 : memref<128xi32, #tpu.memory_space<hbm>>) dst(%arg8 : memref<128xi32, #tpu.memory_space<vmem>>)
      %dma_wait3A_656 = arith.constant 0 : i32
      %dma_wait3A_657 = tpu.memref_slice %arg3[%dma_wait3A_656] : memref<3276800xi32, #tpu.memory_space<hbm>> -> memref<128xi32, #tpu.memory_space<hbm>>
      %dma_wait3A_658 = arith.constant 0 : i32
      %dma_wait3A_659 = tpu.memref_slice %arg3[%dma_wait3A_658] : memref<3276800xi32, #tpu.memory_space<hbm>> -> memref<128xi32, #tpu.memory_space<hbm>>
      tpu.wait_dma2 semaphore(%arg20 : memref<!tpu.dma_semaphore, #tpu.memory_space<semaphore_mem>>) src(%dma_wait3A_659 : memref<128xi32, #tpu.memory_space<hbm>>) dst(%arg10 : memref<128xi32, #tpu.memory_space<vmem>>)
      %dma_wait3A_660 = arith.constant 0 : i32
      %dma_wait3A_661 = tpu.memref_slice %arg4[%dma_wait3A_660] : memref<3276800xi32, #tpu.memory_space<hbm>> -> memref<128xi32, #tpu.memory_space<hbm>>
      %dma_wait3A_662 = arith.constant 0 : i32
      %dma_wait3A_663 = tpu.memref_slice %arg4[%dma_wait3A_662] : memref<3276800xi32, #tpu.memory_space<hbm>> -> memref<128xi32, #tpu.memory_space<hbm>>
      tpu.wait_dma2 semaphore(%arg20 : memref<!tpu.dma_semaphore, #tpu.memory_space<semaphore_mem>>) src(%dma_wait3A_663 : memref<128xi32, #tpu.memory_space<hbm>>) dst(%arg12 : memref<128xi32, #tpu.memory_space<vmem>>)
      %get3A_664 = arith.constant 0 : index
      %get3A_665 = tpu.vector_load %arg10[%get3A_664] {strides = array<i32>} : memref<128xi32, #tpu.memory_space<vmem>>, vector<16xi32>,
      %get3A_666 = vector.shape_cast %get3A_665 : vector<16xi32> to vector<16xi32>
      %mul3A_667 = arith.constant 32 : i32
      %mul3A_668 = vector.broadcast %mul3A_667 : i32 to vector<16xi32>
      %mul3A_669 = arith.muli %get3A_666, %mul3A_668 : vector<16xi32>
      %get3A_670 = arith.constant 0 : index
      %get3A_671 = tpu.vector_load %arg12[%get3A_670] {strides = array<i32>} : memref<128xi32, #tpu.memory_space<vmem>>, vector<16xi32>,
      %get3A_672 = vector.shape_cast %get3A_671 : vector<16xi32> to vector<16xi32>
      %add3A_673 = arith.addi %mul3A_669, %get3A_672 : vector<16xi32>
      %swap3A_674 = arith.constant 0 : index
      %swap3A_675 = tpu.vector_load %arg14[%swap3A_674] {strides = array<i32>} : memref<128xi32, #tpu.memory_space<vmem>>, vector<16xi32>,
      %swap3A_676 = vector.shape_cast %swap3A_675 : vector<16xi32> to vector<16xi32>
      %swap3A_677 = vector.shape_cast %add3A_673 : vector<16xi32> to vector<16xi32>
      tpu.vector_store %arg14[%swap3A_674], %swap3A_677 {strides = array<i32>} : memref<128xi32, #tpu.memory_space<vmem>>, vector<16xi32>,
      %get3A_678 = arith.constant 16 : index
      %get3A_679 = tpu.vector_load %arg10[%get3A_678] {strides = array<i32>} : memref<128xi32, #tpu.memory_space<vmem>>, vector<16xi32>,
      %get3A_680 = vector.shape_cast %get3A_679 : vector<16xi32> to vector<16xi32>
      %mul3A_681 = arith.constant 32 : i32
      %mul3A_682 = vector.broadcast %mul3A_681 : i32 to vector<16xi32>
      %mul3A_683 = arith.muli %get3A_680, %mul3A_682 : vector<16xi32>
      %get3A_684 = arith.constant 16 : index
      %get3A_685 = tpu.vector_load %arg12[%get3A_684] {strides = array<i32>} : memref<128xi32, #tpu.memory_space<vmem>>, vector<16xi32>,
      %get3A_686 = vector.shape_cast %get3A_685 : vector<16xi32> to vector<16xi32>
      %add3A_687 = arith.addi %mul3A_683, %get3A_686 : vector<16xi32>
      %swap3A_688 = arith.constant 16 : index
      %swap3A_689 = tpu.vector_load %arg14[%swap3A_688] {strides = array<i32>} : memref<128xi32, #tpu.memory_space<vmem>>, vector<16xi32>,
      %swap3A_690 = vector.shape_cast %swap3A_689 : vector<16xi32> to vector<16xi32>
      %swap3A_691 = vector.shape_cast %add3A_687 : vector<16xi32> to vector<16xi32>
      tpu.vector_store %arg14[%swap3A_688], %swap3A_691 {strides = array<i32>} : memref<128xi32, #tpu.memory_space<vmem>>, vector<16xi32>,
      %get3A_692 = arith.constant 32 : index
      %get3A_693 = tpu.vector_load %arg10[%get3A_692] {strides = array<i32>} : memref<128xi32, #tpu.memory_space<vmem>>, vector<16xi32>,
      %get3A_694 = vector.shape_cast %get3A_693 : vector<16xi32> to vector<16xi32>
      %mul3A_695 = arith.constant 32 : i32
      %mul3A_696 = vector.broadcast %mul3A_695 : i32 to vector<16xi32>
      %mul3A_697 = arith.muli %get3A_694, %mul3A_696 : vector<16xi32>
      %get3A_698 = arith.constant 32 : index
      %get3A_699 = tpu.vector_load %arg12[%get3A_698] {strides = array<i32>} : memref<128xi32, #tpu.memory_space<vmem>>, vector<16xi32>,
      %get3A_700 = vector.shape_cast %get3A_699 : vector<16xi32> to vector<16xi32>
      %add3A_701 = arith.addi %mul3A_697, %get3A_700 : vector<16xi32>
      %swap3A_702 = arith.constant 32 : index
      %swap3A_703 = tpu.vector_load %arg14[%swap3A_702] {strides = array<i32>} : memref<128xi32, #tpu.memory_space<vmem>>, vector<16xi32>,
      %swap3A_704 = vector.shape_cast %swap3A_703 : vector<16xi32> to vector<16xi32>
      %swap3A_705 = vector.shape_cast %add3A_701 : vector<16xi32> to vector<16xi32>
      tpu.vector_store %arg14[%swap3A_702], %swap3A_705 {strides = array<i32>} : memref<128xi32, #tpu.memory_space<vmem>>, vector<16xi32>,
      %get3A_706 = arith.constant 48 : index
      %get3A_707 = tpu.vector_load %arg10[%get3A_706] {strides = array<i32>} : memref<128xi32, #tpu.memory_space<vmem>>, vector<16xi32>,
      %get3A_708 = vector.shape_cast %get3A_707 : vector<16xi32> to vector<16xi32>
      %mul3A_709 = arith.constant 32 : i32
      %mul3A_710 = vector.broadcast %mul3A_709 : i32 to vector<16xi32>
      %mul3A_711 = arith.muli %get3A_708, %mul3A_710 : vector<16xi32>
      %get3A_712 = arith.constant 48 : index
      %get3A_713 = tpu.vector_load %arg12[%get3A_712] {strides = array<i32>} : memref<128xi32, #tpu.memory_space<vmem>>, vector<16xi32>,
      %get3A_714 = vector.shape_cast %get3A_713 : vector<16xi32> to vector<16xi32>
      %add3A_715 = arith.addi %mul3A_711, %get3A_714 : vector<16xi32>
      %swap3A_716 = arith.constant 48 : index
      %swap3A_717 = tpu.vector_load %arg14[%swap3A_716] {strides = array<i32>} : memref<128xi32, #tpu.memory_space<vmem>>, vector<16xi32>,
      %swap3A_718 = vector.shape_cast %swap3A_717 : vector<16xi32> to vector<16xi32>
      %swap3A_719 = vector.shape_cast %add3A_715 : vector<16xi32> to vector<16xi32>
      tpu.vector_store %arg14[%swap3A_716], %swap3A_719 {strides = array<i32>} : memref<128xi32, #tpu.memory_space<vmem>>, vector<16xi32>,
      %get3A_720 = arith.constant 64 : index
      %get3A_721 = tpu.vector_load %arg10[%get3A_720] {strides = array<i32>} : memref<128xi32, #tpu.memory_space<vmem>>, vector<16xi32>,
      %get3A_722 = vector.shape_cast %get3A_721 : vector<16xi32> to vector<16xi32>
      %mul3A_723 = arith.constant 32 : i32
      %mul3A_724 = vector.broadcast %mul3A_723 : i32 to vector<16xi32>
      %mul3A_725 = arith.muli %get3A_722, %mul3A_724 : vector<16xi32>
      %get3A_726 = arith.constant 64 : index
      %get3A_727 = tpu.vector_load %arg12[%get3A_726] {strides = array<i32>} : memref<128xi32, #tpu.memory_space<vmem>>, vector<16xi32>,
      %get3A_728 = vector.shape_cast %get3A_727 : vector<16xi32> to vector<16xi32>
      %add3A_729 = arith.addi %mul3A_725, %get3A_728 : vector<16xi32>
      %swap3A_730 = arith.constant 64 : index
      %swap3A_731 = tpu.vector_load %arg14[%swap3A_730] {strides = array<i32>} : memref<128xi32, #tpu.memory_space<vmem>>, vector<16xi32>,
      %swap3A_732 = vector.shape_cast %swap3A_731 : vector<16xi32> to vector<16xi32>
      %swap3A_733 = vector.shape_cast %add3A_729 : vector<16xi32> to vector<16xi32>
      tpu.vector_store %arg14[%swap3A_730], %swap3A_733 {strides = array<i32>} : memref<128xi32, #tpu.memory_space<vmem>>, vector<16xi32>,
      %get3A_734 = arith.constant 80 : index
      %get3A_735 = tpu.vector_load %arg10[%get3A_734] {strides = array<i32>} : memref<128xi32, #tpu.memory_space<vmem>>, vector<16xi32>,
      %get3A_736 = vector.shape_cast %get3A_735 : vector<16xi32> to vector<16xi32>
      %mul3A_737 = arith.constant 32 : i32
      %mul3A_738 = vector.broadcast %mul3A_737 : i32 to vector<16xi32>
      %mul3A_739 = arith.muli %get3A_736, %mul3A_738 : vector<16xi32>
      %get3A_740 = arith.constant 80 : index
      %get3A_741 = tpu.vector_load %arg12[%get3A_740] {strides = array<i32>} : memref<128xi32, #tpu.memory_space<vmem>>, vector<16xi32>,
      %get3A_742 = vector.shape_cast %get3A_741 : vector<16xi32> to vector<16xi32>
      %add3A_743 = arith.addi %mul3A_739, %get3A_742 : vector<16xi32>
      %swap3A_744 = arith.constant 80 : index
      %swap3A_745 = tpu.vector_load %arg14[%swap3A_744] {strides = array<i32>} : memref<128xi32, #tpu.memory_space<vmem>>, vector<16xi32>,
      %swap3A_746 = vector.shape_cast %swap3A_745 : vector<16xi32> to vector<16xi32>
      %swap3A_747 = vector.shape_cast %add3A_743 : vector<16xi32> to vector<16xi32>
      tpu.vector_store %arg14[%swap3A_744], %swap3A_747 {strides = array<i32>} : memref<128xi32, #tpu.memory_space<vmem>>, vector<16xi32>,
      %get3A_748 = arith.constant 96 : index
      %get3A_749 = tpu.vector_load %arg10[%get3A_748] {strides = array<i32>} : memref<128xi32, #tpu.memory_space<vmem>>, vector<16xi32>,
      %get3A_750 = vector.shape_cast %get3A_749 : vector<16xi32> to vector<16xi32>
      %mul3A_751 = arith.constant 32 : i32
      %mul3A_752 = vector.broadcast %mul3A_751 : i32 to vector<16xi32>
      %mul3A_753 = arith.muli %get3A_750, %mul3A_752 : vector<16xi32>
      %get3A_754 = arith.constant 96 : index
      %get3A_755 = tpu.vector_load %arg12[%get3A_754] {strides = array<i32>} : memref<128xi32, #tpu.memory_space<vmem>>, vector<16xi32>,
      %get3A_756 = vector.shape_cast %get3A_755 : vector<16xi32> to vector<16xi32>
      %add3A_757 = arith.addi %mul3A_753, %get3A_756 : vector<16xi32>
      %swap3A_758 = arith.constant 96 : index
      %swap3A_759 = tpu.vector_load %arg14[%swap3A_758] {strides = array<i32>} : memref<128xi32, #tpu.memory_space<vmem>>, vector<16xi32>,
      %swap3A_760 = vector.shape_cast %swap3A_759 : vector<16xi32> to vector<16xi32>
      %swap3A_761 = vector.shape_cast %add3A_757 : vector<16xi32> to vector<16xi32>
      tpu.vector_store %arg14[%swap3A_758], %swap3A_761 {strides = array<i32>} : memref<128xi32, #tpu.memory_space<vmem>>, vector<16xi32>,
      %get3A_762 = arith.constant 112 : index
      %get3A_763 = tpu.vector_load %arg10[%get3A_762] {strides = array<i32>} : memref<128xi32, #tpu.memory_space<vmem>>, vector<16xi32>,
      %get3A_764 = vector.shape_cast %get3A_763 : vector<16xi32> to vector<16xi32>
      %mul3A_765 = arith.constant 32 : i32
      %mul3A_766 = vector.broadcast %mul3A_765 : i32 to vector<16xi32>
      %mul3A_767 = arith.muli %get3A_764, %mul3A_766 : vector<16xi32>
      %get3A_768 = arith.constant 112 : index
      %get3A_769 = tpu.vector_load %arg12[%get3A_768] {strides = array<i32>} : memref<128xi32, #tpu.memory_space<vmem>>, vector<16xi32>,
      %get3A_770 = vector.shape_cast %get3A_769 : vector<16xi32> to vector<16xi32>
      %add3A_771 = arith.addi %mul3A_767, %get3A_770 : vector<16xi32>
      %swap3A_772 = arith.constant 112 : index
      %swap3A_773 = tpu.vector_load %arg14[%swap3A_772] {strides = array<i32>} : memref<128xi32, #tpu.memory_space<vmem>>, vector<16xi32>,
      %swap3A_774 = vector.shape_cast %swap3A_773 : vector<16xi32> to vector<16xi32>
      %swap3A_775 = vector.shape_cast %add3A_771 : vector<16xi32> to vector<16xi32>
      tpu.vector_store %arg14[%swap3A_772], %swap3A_775 {strides = array<i32>} : memref<128xi32, #tpu.memory_space<vmem>>, vector<16xi32>,
      %dma_wait3A_776 = arith.constant 0 : i32
      %dma_wait3A_777 = arith.constant 0 : i32
      %dma_wait3A_778 = tpu.memref_slice %arg7[%dma_wait3A_776, %dma_wait3A_777] : memref<3276800x128xf32, #tpu.memory_space<hbm>> -> memref<128x128xf32, #tpu.memory_space<hbm>>
      %dma_wait3A_779 = arith.constant 0 : i32
      %dma_wait3A_780 = arith.constant 0 : i32
      %dma_wait3A_781 = tpu.memref_slice %arg7[%dma_wait3A_779, %dma_wait3A_780] : memref<3276800x128xf32, #tpu.memory_space<hbm>> -> memref<128x128xf32, #tpu.memory_space<hbm>>
      tpu.wait_dma2 semaphore(%arg24 : memref<!tpu.dma_semaphore, #tpu.memory_space<semaphore_mem>>) src(%arg16 : memref<128x128xf32, #tpu.memory_space<vmem>>) dst(%dma_wait3A_781 : memref<128x128xf32, #tpu.memory_space<hbm>>)
      %dma_start3A_782 = arith.constant 0 : i32
      %dma_start3A_783 = arith.constant 0 : i32
      %dma_start3A_784 = tpu.memref_slice %arg5[%dma_start3A_782, %dma_start3A_783] : memref<100000x128xf32, #tpu.memory_space<hbm>> -> memref<100000x128xf32, #tpu.memory_space<hbm>>
      tpu.enqueue_indirect_dma source(%dma_start3A_784 : memref<100000x128xf32, #tpu.memory_space<hbm>>) target(%arg16 : memref<128x128xf32, #tpu.memory_space<vmem>>) offsets(%arg8 : memref<128xi32, #tpu.memory_space<vmem>>) semaphore(%arg22 : memref<!tpu.dma_semaphore, #tpu.memory_space<semaphore_mem>>)
      %dma_start3A_785 = arith.constant 0 : i32
      %dma_start3A_786 = arith.constant 0 : i32
      %dma_start3A_787 = tpu.memref_slice %arg6[%dma_start3A_785, %dma_start3A_786] : memref<416x128xf32, #tpu.memory_space<hbm>> -> memref<416x128xf32, #tpu.memory_space<hbm>>
      tpu.enqueue_indirect_dma source(%dma_start3A_787 : memref<416x128xf32, #tpu.memory_space<hbm>>) target(%arg18 : memref<128x128xf32, #tpu.memory_space<vmem>>) offsets(%arg14 : memref<128xi32, #tpu.memory_space<vmem>>) semaphore(%arg22 : memref<!tpu.dma_semaphore, #tpu.memory_space<semaphore_mem>>)
      %dma_wait3A_788 = arith.constant 0 : i32
      %dma_wait3A_789 = arith.constant 0 : i32
      %dma_wait3A_790 = tpu.memref_slice %arg5[%dma_wait3A_788, %dma_wait3A_789] : memref<100000x128xf32, #tpu.memory_space<hbm>> -> memref<100000x128xf32, #tpu.memory_space<hbm>>
      tpu.wait_indirect_dma semaphore(%arg23 : memref<!tpu.dma_semaphore, #tpu.memory_space<semaphore_mem>>) src(%dma_wait3A_790 : memref<100000x128xf32, #tpu.memory_space<hbm>>) dst(%arg17 : memref<128x128xf32, #tpu.memory_space<vmem>>)
      %dma_wait3A_791 = arith.constant 0 : i32
      %dma_wait3A_792 = arith.constant 0 : i32
      %dma_wait3A_793 = tpu.memref_slice %arg6[%dma_wait3A_791, %dma_wait3A_792] : memref<416x128xf32, #tpu.memory_space<hbm>> -> memref<416x128xf32, #tpu.memory_space<hbm>>
      tpu.wait_indirect_dma semaphore(%arg23 : memref<!tpu.dma_semaphore, #tpu.memory_space<semaphore_mem>>) src(%dma_wait3A_793 : memref<416x128xf32, #tpu.memory_space<hbm>>) dst(%arg19 : memref<128x128xf32, #tpu.memory_space<vmem>>)
      %add3A_794 = arith.constant 2 : i32
      %add3A_795 = arith.addi %add3A_651, %add3A_794 : i32
      %mul3A_796 = arith.constant 128 : i32
      %mul3A_797 = arith.muli %add3A_795, %mul3A_796 : i32
      %add3A_798 = arith.addi %mul3A_2, %mul3A_797 : i32
      %dma_start3A_799 = tpu.memref_slice %arg2[%add3A_798] : memref<3276800xi32, #tpu.memory_space<hbm>> -> memref<128xi32, #tpu.memory_space<hbm>>
      %dma_start3A_800 = tpu.memref_slice %arg2[%add3A_798] : memref<3276800xi32, #tpu.memory_space<hbm>> -> memref<128xi32, #tpu.memory_space<hbm>>
      tpu.enqueue_dma source(%dma_start3A_800 : memref<128xi32, #tpu.memory_space<hbm>>) target(%arg9 : memref<128xi32, #tpu.memory_space<vmem>>) target_semaphore(%arg21 : memref<!tpu.dma_semaphore, #tpu.memory_space<semaphore_mem>>)
      %dma_start3A_801 = tpu.memref_slice %arg3[%add3A_798] : memref<3276800xi32, #tpu.memory_space<hbm>> -> memref<128xi32, #tpu.memory_space<hbm>>
      %dma_start3A_802 = tpu.memref_slice %arg3[%add3A_798] : memref<3276800xi32, #tpu.memory_space<hbm>> -> memref<128xi32, #tpu.memory_space<hbm>>
      tpu.enqueue_dma source(%dma_start3A_802 : memref<128xi32, #tpu.memory_space<hbm>>) target(%arg11 : memref<128xi32, #tpu.memory_space<vmem>>) target_semaphore(%arg21 : memref<!tpu.dma_semaphore, #tpu.memory_space<semaphore_mem>>)
      %dma_start3A_803 = tpu.memref_slice %arg4[%add3A_798] : memref<3276800xi32, #tpu.memory_space<hbm>> -> memref<128xi32, #tpu.memory_space<hbm>>
      %dma_start3A_804 = tpu.memref_slice %arg4[%add3A_798] : memref<3276800xi32, #tpu.memory_space<hbm>> -> memref<128xi32, #tpu.memory_space<hbm>>
      tpu.enqueue_dma source(%dma_start3A_804 : memref<128xi32, #tpu.memory_space<hbm>>) target(%arg13 : memref<128xi32, #tpu.memory_space<vmem>>) target_semaphore(%arg21 : memref<!tpu.dma_semaphore, #tpu.memory_space<semaphore_mem>>)
      %scan3A_805 = arith.constant 0 : i32
      %scan3A_806 = arith.constant 128 : i32
      %scan3A_807 = arith.addi %scan3A_805, %scan3A_806 : i32
      %scan3A_808 = arith.constant 1 : i32
      scf.for %scan3A_984 = %scan3A_805 to %scan3A_807 step %scan3A_808  : i32 {
        %mul3A_985 = arith.constant 1 : i32
        %mul3A_986 = arith.muli %scan3A_984, %mul3A_985 : i32
        %add3A_987 = arith.constant 0 : i32
        %add3A_988 = arith.addi %add3A_987, %mul3A_986 : i32
        %get3A_989 = arith.index_cast %add3A_988 : i32 to index
        %get3A_990 = arith.constant 0 : index
        %get3A_991 = tpu.vector_load %arg19[%get3A_989, %get3A_990] {strides = array<i32>} : memref<128x128xf32, #tpu.memory_space<vmem>>, vector<1x16xf32>,
        %get3A_992 = vector.shape_cast %get3A_991 : vector<1x16xf32> to vector<16xf32>
        %swap3A_993 = arith.index_cast %add3A_988 : i32 to index
        %swap3A_994 = arith.constant 0 : index
        %swap3A_995 = tpu.vector_load %arg17[%swap3A_993, %swap3A_994] {strides = array<i32>} : memref<128x128xf32, #tpu.memory_space<vmem>>, vector<1x16xf32>,
        %swap3A_996 = vector.shape_cast %swap3A_995 : vector<1x16xf32> to vector<16xf32>
        %swap3A_997 = vector.shape_cast %get3A_992 : vector<16xf32> to vector<1x16xf32>
        tpu.vector_store %arg17[%swap3A_993, %swap3A_994], %swap3A_997 {add = true, strides = array<i32>} : memref<128x128xf32, #tpu.memory_space<vmem>>, vector<1x16xf32>,
        %get3A_998 = arith.index_cast %add3A_988 : i32 to index
        %get3A_999 = arith.constant 16 : index
        %get3A_1000 = tpu.vector_load %arg19[%get3A_998, %get3A_999] {strides = array<i32>} : memref<128x128xf32, #tpu.memory_space<vmem>>, vector<1x16xf32>,
        %get3A_1001 = vector.shape_cast %get3A_1000 : vector<1x16xf32> to vector<16xf32>
        %swap3A_1002 = arith.index_cast %add3A_988 : i32 to index
        %swap3A_1003 = arith.constant 16 : index
        %swap3A_1004 = tpu.vector_load %arg17[%swap3A_1002, %swap3A_1003] {strides = array<i32>} : memref<128x128xf32, #tpu.memory_space<vmem>>, vector<1x16xf32>,
        %swap3A_1005 = vector.shape_cast %swap3A_1004 : vector<1x16xf32> to vector<16xf32>
        %swap3A_1006 = vector.shape_cast %get3A_1001 : vector<16xf32> to vector<1x16xf32>
        tpu.vector_store %arg17[%swap3A_1002, %swap3A_1003], %swap3A_1006 {add = true, strides = array<i32>} : memref<128x128xf32, #tpu.memory_space<vmem>>, vector<1x16xf32>,
        %get3A_1007 = arith.index_cast %add3A_988 : i32 to index
        %get3A_1008 = arith.constant 32 : index
        %get3A_1009 = tpu.vector_load %arg19[%get3A_1007, %get3A_1008] {strides = array<i32>} : memref<128x128xf32, #tpu.memory_space<vmem>>, vector<1x16xf32>,
        %get3A_1010 = vector.shape_cast %get3A_1009 : vector<1x16xf32> to vector<16xf32>
        %swap3A_1011 = arith.index_cast %add3A_988 : i32 to index
        %swap3A_1012 = arith.constant 32 : index
        %swap3A_1013 = tpu.vector_load %arg17[%swap3A_1011, %swap3A_1012] {strides = array<i32>} : memref<128x128xf32, #tpu.memory_space<vmem>>, vector<1x16xf32>,
        %swap3A_1014 = vector.shape_cast %swap3A_1013 : vector<1x16xf32> to vector<16xf32>
        %swap3A_1015 = vector.shape_cast %get3A_1010 : vector<16xf32> to vector<1x16xf32>
        tpu.vector_store %arg17[%swap3A_1011, %swap3A_1012], %swap3A_1015 {add = true, strides = array<i32>} : memref<128x128xf32, #tpu.memory_space<vmem>>, vector<1x16xf32>,
        %get3A_1016 = arith.index_cast %add3A_988 : i32 to index
        %get3A_1017 = arith.constant 48 : index
        %get3A_1018 = tpu.vector_load %arg19[%get3A_1016, %get3A_1017] {strides = array<i32>} : memref<128x128xf32, #tpu.memory_space<vmem>>, vector<1x16xf32>,
        %get3A_1019 = vector.shape_cast %get3A_1018 : vector<1x16xf32> to vector<16xf32>
        %swap3A_1020 = arith.index_cast %add3A_988 : i32 to index
        %swap3A_1021 = arith.constant 48 : index
        %swap3A_1022 = tpu.vector_load %arg17[%swap3A_1020, %swap3A_1021] {strides = array<i32>} : memref<128x128xf32, #tpu.memory_space<vmem>>, vector<1x16xf32>,
        %swap3A_1023 = vector.shape_cast %swap3A_1022 : vector<1x16xf32> to vector<16xf32>
        %swap3A_1024 = vector.shape_cast %get3A_1019 : vector<16xf32> to vector<1x16xf32>
        tpu.vector_store %arg17[%swap3A_1020, %swap3A_1021], %swap3A_1024 {add = true, strides = array<i32>} : memref<128x128xf32, #tpu.memory_space<vmem>>, vector<1x16xf32>,
        %get3A_1025 = arith.index_cast %add3A_988 : i32 to index
        %get3A_1026 = arith.constant 64 : index
        %get3A_1027 = tpu.vector_load %arg19[%get3A_1025, %get3A_1026] {strides = array<i32>} : memref<128x128xf32, #tpu.memory_space<vmem>>, vector<1x16xf32>,
        %get3A_1028 = vector.shape_cast %get3A_1027 : vector<1x16xf32> to vector<16xf32>
        %swap3A_1029 = arith.index_cast %add3A_988 : i32 to index
        %swap3A_1030 = arith.constant 64 : index
        %swap3A_1031 = tpu.vector_load %arg17[%swap3A_1029, %swap3A_1030] {strides = array<i32>} : memref<128x128xf32, #tpu.memory_space<vmem>>, vector<1x16xf32>,
        %swap3A_1032 = vector.shape_cast %swap3A_1031 : vector<1x16xf32> to vector<16xf32>
        %swap3A_1033 = vector.shape_cast %get3A_1028 : vector<16xf32> to vector<1x16xf32>
        tpu.vector_store %arg17[%swap3A_1029, %swap3A_1030], %swap3A_1033 {add = true, strides = array<i32>} : memref<128x128xf32, #tpu.memory_space<vmem>>, vector<1x16xf32>,
        %get3A_1034 = arith.index_cast %add3A_988 : i32 to index
        %get3A_1035 = arith.constant 80 : index
        %get3A_1036 = tpu.vector_load %arg19[%get3A_1034, %get3A_1035] {strides = array<i32>} : memref<128x128xf32, #tpu.memory_space<vmem>>, vector<1x16xf32>,
        %get3A_1037 = vector.shape_cast %get3A_1036 : vector<1x16xf32> to vector<16xf32>
        %swap3A_1038 = arith.index_cast %add3A_988 : i32 to index
        %swap3A_1039 = arith.constant 80 : index
        %swap3A_1040 = tpu.vector_load %arg17[%swap3A_1038, %swap3A_1039] {strides = array<i32>} : memref<128x128xf32, #tpu.memory_space<vmem>>, vector<1x16xf32>,
        %swap3A_1041 = vector.shape_cast %swap3A_1040 : vector<1x16xf32> to vector<16xf32>
        %swap3A_1042 = vector.shape_cast %get3A_1037 : vector<16xf32> to vector<1x16xf32>
        tpu.vector_store %arg17[%swap3A_1038, %swap3A_1039], %swap3A_1042 {add = true, strides = array<i32>} : memref<128x128xf32, #tpu.memory_space<vmem>>, vector<1x16xf32>,
        %get3A_1043 = arith.index_cast %add3A_988 : i32 to index
        %get3A_1044 = arith.constant 96 : index
        %get3A_1045 = tpu.vector_load %arg19[%get3A_1043, %get3A_1044] {strides = array<i32>} : memref<128x128xf32, #tpu.memory_space<vmem>>, vector<1x16xf32>,
        %get3A_1046 = vector.shape_cast %get3A_1045 : vector<1x16xf32> to vector<16xf32>
        %swap3A_1047 = arith.index_cast %add3A_988 : i32 to index
        %swap3A_1048 = arith.constant 96 : index
        %swap3A_1049 = tpu.vector_load %arg17[%swap3A_1047, %swap3A_1048] {strides = array<i32>} : memref<128x128xf32, #tpu.memory_space<vmem>>, vector<1x16xf32>,
        %swap3A_1050 = vector.shape_cast %swap3A_1049 : vector<1x16xf32> to vector<16xf32>
        %swap3A_1051 = vector.shape_cast %get3A_1046 : vector<16xf32> to vector<1x16xf32>
        tpu.vector_store %arg17[%swap3A_1047, %swap3A_1048], %swap3A_1051 {add = true, strides = array<i32>} : memref<128x128xf32, #tpu.memory_space<vmem>>, vector<1x16xf32>,
        %get3A_1052 = arith.index_cast %add3A_988 : i32 to index
        %get3A_1053 = arith.constant 112 : index
        %get3A_1054 = tpu.vector_load %arg19[%get3A_1052, %get3A_1053] {strides = array<i32>} : memref<128x128xf32, #tpu.memory_space<vmem>>, vector<1x16xf32>,
        %get3A_1055 = vector.shape_cast %get3A_1054 : vector<1x16xf32> to vector<16xf32>
        %swap3A_1056 = arith.index_cast %add3A_988 : i32 to index
        %swap3A_1057 = arith.constant 112 : index
        %swap3A_1058 = tpu.vector_load %arg17[%swap3A_1056, %swap3A_1057] {strides = array<i32>} : memref<128x128xf32, #tpu.memory_space<vmem>>, vector<1x16xf32>,
        %swap3A_1059 = vector.shape_cast %swap3A_1058 : vector<1x16xf32> to vector<16xf32>
        %swap3A_1060 = vector.shape_cast %get3A_1055 : vector<16xf32> to vector<1x16xf32>
        tpu.vector_store %arg17[%swap3A_1056, %swap3A_1057], %swap3A_1060 {add = true, strides = array<i32>} : memref<128x128xf32, #tpu.memory_space<vmem>>, vector<1x16xf32>,
      }
      %scan3A_809 = arith.constant 128 : i32
      %mul3A_810 = arith.constant 128 : i32
      %mul3A_811 = arith.muli %add3A_651, %mul3A_810 : i32
      %add3A_812 = arith.addi %mul3A_2, %mul3A_811 : i32
      %dma_start3A_813 = arith.constant 0 : i32
      %dma_start3A_814 = tpu.memref_slice %arg7[%add3A_812, %dma_start3A_813] : memref<3276800x128xf32, #tpu.memory_space<hbm>> -> memref<128x128xf32, #tpu.memory_space<hbm>>
      %dma_start3A_815 = arith.constant 0 : i32
      %dma_start3A_816 = tpu.memref_slice %arg7[%add3A_812, %dma_start3A_815] : memref<3276800x128xf32, #tpu.memory_space<hbm>> -> memref<128x128xf32, #tpu.memory_space<hbm>>
      tpu.enqueue_dma source(%arg17 : memref<128x128xf32, #tpu.memory_space<vmem>>) target(%dma_start3A_816 : memref<128x128xf32, #tpu.memory_space<hbm>>) target_semaphore(%arg25 : memref<!tpu.dma_semaphore, #tpu.memory_space<semaphore_mem>>)
      %add3A_817 = arith.constant 1 : i32
      %add3A_818 = arith.addi %add3A_651, %add3A_817 : i32
      %dma_wait3A_819 = arith.constant 0 : i32
      %dma_wait3A_820 = tpu.memref_slice %arg2[%dma_wait3A_819] : memref<3276800xi32, #tpu.memory_space<hbm>> -> memref<128xi32, #tpu.memory_space<hbm>>
      %dma_wait3A_821 = arith.constant 0 : i32
      %dma_wait3A_822 = tpu.memref_slice %arg2[%dma_wait3A_821] : memref<3276800xi32, #tpu.memory_space<hbm>> -> memref<128xi32, #tpu.memory_space<hbm>>
      tpu.wait_dma2 semaphore(%arg21 : memref<!tpu.dma_semaphore, #tpu.memory_space<semaphore_mem>>) src(%dma_wait3A_822 : memref<128xi32, #tpu.memory_space<hbm>>) dst(%arg9 : memref<128xi32, #tpu.memory_space<vmem>>)
      %dma_wait3A_823 = arith.constant 0 : i32
      %dma_wait3A_824 = tpu.memref_slice %arg3[%dma_wait3A_823] : memref<3276800xi32, #tpu.memory_space<hbm>> -> memref<128xi32, #tpu.memory_space<hbm>>
      %dma_wait3A_825 = arith.constant 0 : i32
      %dma_wait3A_826 = tpu.memref_slice %arg3[%dma_wait3A_825] : memref<3276800xi32, #tpu.memory_space<hbm>> -> memref<128xi32, #tpu.memory_space<hbm>>
      tpu.wait_dma2 semaphore(%arg21 : memref<!tpu.dma_semaphore, #tpu.memory_space<semaphore_mem>>) src(%dma_wait3A_826 : memref<128xi32, #tpu.memory_space<hbm>>) dst(%arg11 : memref<128xi32, #tpu.memory_space<vmem>>)
      %dma_wait3A_827 = arith.constant 0 : i32
      %dma_wait3A_828 = tpu.memref_slice %arg4[%dma_wait3A_827] : memref<3276800xi32, #tpu.memory_space<hbm>> -> memref<128xi32, #tpu.memory_space<hbm>>
      %dma_wait3A_829 = arith.constant 0 : i32
      %dma_wait3A_830 = tpu.memref_slice %arg4[%dma_wait3A_829] : memref<3276800xi32, #tpu.memory_space<hbm>> -> memref<128xi32, #tpu.memory_space<hbm>>
      tpu.wait_dma2 semaphore(%arg21 : memref<!tpu.dma_semaphore, #tpu.memory_space<semaphore_mem>>) src(%dma_wait3A_830 : memref<128xi32, #tpu.memory_space<hbm>>) dst(%arg13 : memref<128xi32, #tpu.memory_space<vmem>>)
      %get3A_831 = arith.constant 0 : index
      %get3A_832 = tpu.vector_load %arg11[%get3A_831] {strides = array<i32>} : memref<128xi32, #tpu.memory_space<vmem>>, vector<16xi32>,
      %get3A_833 = vector.shape_cast %get3A_832 : vector<16xi32> to vector<16xi32>
      %mul3A_834 = arith.constant 32 : i32
      %mul3A_835 = vector.broadcast %mul3A_834 : i32 to vector<16xi32>
      %mul3A_836 = arith.muli %get3A_833, %mul3A_835 : vector<16xi32>
      %get3A_837 = arith.constant 0 : index
      %get3A_838 = tpu.vector_load %arg13[%get3A_837] {strides = array<i32>} : memref<128xi32, #tpu.memory_space<vmem>>, vector<16xi32>,
      %get3A_839 = vector.shape_cast %get3A_838 : vector<16xi32> to vector<16xi32>
      %add3A_840 = arith.addi %mul3A_836, %get3A_839 : vector<16xi32>
      %swap3A_841 = arith.constant 0 : index
      %swap3A_842 = tpu.vector_load %arg15[%swap3A_841] {strides = array<i32>} : memref<128xi32, #tpu.memory_space<vmem>>, vector<16xi32>,
      %swap3A_843 = vector.shape_cast %swap3A_842 : vector<16xi32> to vector<16xi32>
      %swap3A_844 = vector.shape_cast %add3A_840 : vector<16xi32> to vector<16xi32>
      tpu.vector_store %arg15[%swap3A_841], %swap3A_844 {strides = array<i32>} : memref<128xi32, #tpu.memory_space<vmem>>, vector<16xi32>,
      %get3A_845 = arith.constant 16 : index
      %get3A_846 = tpu.vector_load %arg11[%get3A_845] {strides = array<i32>} : memref<128xi32, #tpu.memory_space<vmem>>, vector<16xi32>,
      %get3A_847 = vector.shape_cast %get3A_846 : vector<16xi32> to vector<16xi32>
      %mul3A_848 = arith.constant 32 : i32
      %mul3A_849 = vector.broadcast %mul3A_848 : i32 to vector<16xi32>
      %mul3A_850 = arith.muli %get3A_847, %mul3A_849 : vector<16xi32>
      %get3A_851 = arith.constant 16 : index
      %get3A_852 = tpu.vector_load %arg13[%get3A_851] {strides = array<i32>} : memref<128xi32, #tpu.memory_space<vmem>>, vector<16xi32>,
      %get3A_853 = vector.shape_cast %get3A_852 : vector<16xi32> to vector<16xi32>
      %add3A_854 = arith.addi %mul3A_850, %get3A_853 : vector<16xi32>
      %swap3A_855 = arith.constant 16 : index
      %swap3A_856 = tpu.vector_load %arg15[%swap3A_855] {strides = array<i32>} : memref<128xi32, #tpu.memory_space<vmem>>, vector<16xi32>,
      %swap3A_857 = vector.shape_cast %swap3A_856 : vector<16xi32> to vector<16xi32>
      %swap3A_858 = vector.shape_cast %add3A_854 : vector<16xi32> to vector<16xi32>
      tpu.vector_store %arg15[%swap3A_855], %swap3A_858 {strides = array<i32>} : memref<128xi32, #tpu.memory_space<vmem>>, vector<16xi32>,
      %get3A_859 = arith.constant 32 : index
      %get3A_860 = tpu.vector_load %arg11[%get3A_859] {strides = array<i32>} : memref<128xi32, #tpu.memory_space<vmem>>, vector<16xi32>,
      %get3A_861 = vector.shape_cast %get3A_860 : vector<16xi32> to vector<16xi32>
      %mul3A_862 = arith.constant 32 : i32
      %mul3A_863 = vector.broadcast %mul3A_862 : i32 to vector<16xi32>
      %mul3A_864 = arith.muli %get3A_861, %mul3A_863 : vector<16xi32>
      %get3A_865 = arith.constant 32 : index
      %get3A_866 = tpu.vector_load %arg13[%get3A_865] {strides = array<i32>} : memref<128xi32, #tpu.memory_space<vmem>>, vector<16xi32>,
      %get3A_867 = vector.shape_cast %get3A_866 : vector<16xi32> to vector<16xi32>
      %add3A_868 = arith.addi %mul3A_864, %get3A_867 : vector<16xi32>
      %swap3A_869 = arith.constant 32 : index
      %swap3A_870 = tpu.vector_load %arg15[%swap3A_869] {strides = array<i32>} : memref<128xi32, #tpu.memory_space<vmem>>, vector<16xi32>,
      %swap3A_871 = vector.shape_cast %swap3A_870 : vector<16xi32> to vector<16xi32>
      %swap3A_872 = vector.shape_cast %add3A_868 : vector<16xi32> to vector<16xi32>
      tpu.vector_store %arg15[%swap3A_869], %swap3A_872 {strides = array<i32>} : memref<128xi32, #tpu.memory_space<vmem>>, vector<16xi32>,
      %get3A_873 = arith.constant 48 : index
      %get3A_874 = tpu.vector_load %arg11[%get3A_873] {strides = array<i32>} : memref<128xi32, #tpu.memory_space<vmem>>, vector<16xi32>,
      %get3A_875 = vector.shape_cast %get3A_874 : vector<16xi32> to vector<16xi32>
      %mul3A_876 = arith.constant 32 : i32
      %mul3A_877 = vector.broadcast %mul3A_876 : i32 to vector<16xi32>
      %mul3A_878 = arith.muli %get3A_875, %mul3A_877 : vector<16xi32>
      %get3A_879 = arith.constant 48 : index
      %get3A_880 = tpu.vector_load %arg13[%get3A_879] {strides = array<i32>} : memref<128xi32, #tpu.memory_space<vmem>>, vector<16xi32>,
      %get3A_881 = vector.shape_cast %get3A_880 : vector<16xi32> to vector<16xi32>
      %add3A_882 = arith.addi %mul3A_878, %get3A_881 : vector<16xi32>
      %swap3A_883 = arith.constant 48 : index
      %swap3A_884 = tpu.vector_load %arg15[%swap3A_883] {strides = array<i32>} : memref<128xi32, #tpu.memory_space<vmem>>, vector<16xi32>,
      %swap3A_885 = vector.shape_cast %swap3A_884 : vector<16xi32> to vector<16xi32>
      %swap3A_886 = vector.shape_cast %add3A_882 : vector<16xi32> to vector<16xi32>
      tpu.vector_store %arg15[%swap3A_883], %swap3A_886 {strides = array<i32>} : memref<128xi32, #tpu.memory_space<vmem>>, vector<16xi32>,
      %get3A_887 = arith.constant 64 : index
      %get3A_888 = tpu.vector_load %arg11[%get3A_887] {strides = array<i32>} : memref<128xi32, #tpu.memory_space<vmem>>, vector<16xi32>,
      %get3A_889 = vector.shape_cast %get3A_888 : vector<16xi32> to vector<16xi32>
      %mul3A_890 = arith.constant 32 : i32
      %mul3A_891 = vector.broadcast %mul3A_890 : i32 to vector<16xi32>
      %mul3A_892 = arith.muli %get3A_889, %mul3A_891 : vector<16xi32>
      %get3A_893 = arith.constant 64 : index
      %get3A_894 = tpu.vector_load %arg13[%get3A_893] {strides = array<i32>} : memref<128xi32, #tpu.memory_space<vmem>>, vector<16xi32>,
      %get3A_895 = vector.shape_cast %get3A_894 : vector<16xi32> to vector<16xi32>
      %add3A_896 = arith.addi %mul3A_892, %get3A_895 : vector<16xi32>
      %swap3A_897 = arith.constant 64 : index
      %swap3A_898 = tpu.vector_load %arg15[%swap3A_897] {strides = array<i32>} : memref<128xi32, #tpu.memory_space<vmem>>, vector<16xi32>,
      %swap3A_899 = vector.shape_cast %swap3A_898 : vector<16xi32> to vector<16xi32>
      %swap3A_900 = vector.shape_cast %add3A_896 : vector<16xi32> to vector<16xi32>
      tpu.vector_store %arg15[%swap3A_897], %swap3A_900 {strides = array<i32>} : memref<128xi32, #tpu.memory_space<vmem>>, vector<16xi32>,
      %get3A_901 = arith.constant 80 : index
      %get3A_902 = tpu.vector_load %arg11[%get3A_901] {strides = array<i32>} : memref<128xi32, #tpu.memory_space<vmem>>, vector<16xi32>,
      %get3A_903 = vector.shape_cast %get3A_902 : vector<16xi32> to vector<16xi32>
      %mul3A_904 = arith.constant 32 : i32
      %mul3A_905 = vector.broadcast %mul3A_904 : i32 to vector<16xi32>
      %mul3A_906 = arith.muli %get3A_903, %mul3A_905 : vector<16xi32>
      %get3A_907 = arith.constant 80 : index
      %get3A_908 = tpu.vector_load %arg13[%get3A_907] {strides = array<i32>} : memref<128xi32, #tpu.memory_space<vmem>>, vector<16xi32>,
      %get3A_909 = vector.shape_cast %get3A_908 : vector<16xi32> to vector<16xi32>
      %add3A_910 = arith.addi %mul3A_906, %get3A_909 : vector<16xi32>
      %swap3A_911 = arith.constant 80 : index
      %swap3A_912 = tpu.vector_load %arg15[%swap3A_911] {strides = array<i32>} : memref<128xi32, #tpu.memory_space<vmem>>, vector<16xi32>,
      %swap3A_913 = vector.shape_cast %swap3A_912 : vector<16xi32> to vector<16xi32>
      %swap3A_914 = vector.shape_cast %add3A_910 : vector<16xi32> to vector<16xi32>
      tpu.vector_store %arg15[%swap3A_911], %swap3A_914 {strides = array<i32>} : memref<128xi32, #tpu.memory_space<vmem>>, vector<16xi32>,
      %get3A_915 = arith.constant 96 : index
      %get3A_916 = tpu.vector_load %arg11[%get3A_915] {strides = array<i32>} : memref<128xi32, #tpu.memory_space<vmem>>, vector<16xi32>,
      %get3A_917 = vector.shape_cast %get3A_916 : vector<16xi32> to vector<16xi32>
      %mul3A_918 = arith.constant 32 : i32
      %mul3A_919 = vector.broadcast %mul3A_918 : i32 to vector<16xi32>
      %mul3A_920 = arith.muli %get3A_917, %mul3A_919 : vector<16xi32>
      %get3A_921 = arith.constant 96 : index
      %get3A_922 = tpu.vector_load %arg13[%get3A_921] {strides = array<i32>} : memref<128xi32, #tpu.memory_space<vmem>>, vector<16xi32>,
      %get3A_923 = vector.shape_cast %get3A_922 : vector<16xi32> to vector<16xi32>
      %add3A_924 = arith.addi %mul3A_920, %get3A_923 : vector<16xi32>
      %swap3A_925 = arith.constant 96 : index
      %swap3A_926 = tpu.vector_load %arg15[%swap3A_925] {strides = array<i32>} : memref<128xi32, #tpu.memory_space<vmem>>, vector<16xi32>,
      %swap3A_927 = vector.shape_cast %swap3A_926 : vector<16xi32> to vector<16xi32>
      %swap3A_928 = vector.shape_cast %add3A_924 : vector<16xi32> to vector<16xi32>
      tpu.vector_store %arg15[%swap3A_925], %swap3A_928 {strides = array<i32>} : memref<128xi32, #tpu.memory_space<vmem>>, vector<16xi32>,
      %get3A_929 = arith.constant 112 : index
      %get3A_930 = tpu.vector_load %arg11[%get3A_929] {strides = array<i32>} : memref<128xi32, #tpu.memory_space<vmem>>, vector<16xi32>,
      %get3A_931 = vector.shape_cast %get3A_930 : vector<16xi32> to vector<16xi32>
      %mul3A_932 = arith.constant 32 : i32
      %mul3A_933 = vector.broadcast %mul3A_932 : i32 to vector<16xi32>
      %mul3A_934 = arith.muli %get3A_931, %mul3A_933 : vector<16xi32>
      %get3A_935 = arith.constant 112 : index
      %get3A_936 = tpu.vector_load %arg13[%get3A_935] {strides = array<i32>} : memref<128xi32, #tpu.memory_space<vmem>>, vector<16xi32>,
      %get3A_937 = vector.shape_cast %get3A_936 : vector<16xi32> to vector<16xi32>
      %add3A_938 = arith.addi %mul3A_934, %get3A_937 : vector<16xi32>
      %swap3A_939 = arith.constant 112 : index
      %swap3A_940 = tpu.vector_load %arg15[%swap3A_939] {strides = array<i32>} : memref<128xi32, #tpu.memory_space<vmem>>, vector<16xi32>,
      %swap3A_941 = vector.shape_cast %swap3A_940 : vector<16xi32> to vector<16xi32>
      %swap3A_942 = vector.shape_cast %add3A_938 : vector<16xi32> to vector<16xi32>
      tpu.vector_store %arg15[%swap3A_939], %swap3A_942 {strides = array<i32>} : memref<128xi32, #tpu.memory_space<vmem>>, vector<16xi32>,
      %dma_wait3A_943 = arith.constant 0 : i32
      %dma_wait3A_944 = arith.constant 0 : i32
      %dma_wait3A_945 = tpu.memref_slice %arg7[%dma_wait3A_943, %dma_wait3A_944] : memref<3276800x128xf32, #tpu.memory_space<hbm>> -> memref<128x128xf32, #tpu.memory_space<hbm>>
      %dma_wait3A_946 = arith.constant 0 : i32
      %dma_wait3A_947 = arith.constant 0 : i32
      %dma_wait3A_948 = tpu.memref_slice %arg7[%dma_wait3A_946, %dma_wait3A_947] : memref<3276800x128xf32, #tpu.memory_space<hbm>> -> memref<128x128xf32, #tpu.memory_space<hbm>>
      tpu.wait_dma2 semaphore(%arg25 : memref<!tpu.dma_semaphore, #tpu.memory_space<semaphore_mem>>) src(%arg17 : memref<128x128xf32, #tpu.memory_space<vmem>>) dst(%dma_wait3A_948 : memref<128x128xf32, #tpu.memory_space<hbm>>)
      %dma_start3A_949 = arith.constant 0 : i32
      %dma_start3A_950 = arith.constant 0 : i32
      %dma_start3A_951 = tpu.memref_slice %arg5[%dma_start3A_949, %dma_start3A_950] : memref<100000x128xf32, #tpu.memory_space<hbm>> -> memref<100000x128xf32, #tpu.memory_space<hbm>>
      tpu.enqueue_indirect_dma source(%dma_start3A_951 : memref<100000x128xf32, #tpu.memory_space<hbm>>) target(%arg17 : memref<128x128xf32, #tpu.memory_space<vmem>>) offsets(%arg9 : memref<128xi32, #tpu.memory_space<vmem>>) semaphore(%arg23 : memref<!tpu.dma_semaphore, #tpu.memory_space<semaphore_mem>>)
      %dma_start3A_952 = arith.constant 0 : i32
      %dma_start3A_953 = arith.constant 0 : i32
      %dma_start3A_954 = tpu.memref_slice %arg6[%dma_start3A_952, %dma_start3A_953] : memref<416x128xf32, #tpu.memory_space<hbm>> -> memref<416x128xf32, #tpu.memory_space<hbm>>
      tpu.enqueue_indirect_dma source(%dma_start3A_954 : memref<416x128xf32, #tpu.memory_space<hbm>>) target(%arg19 : memref<128x128xf32, #tpu.memory_space<vmem>>) offsets(%arg15 : memref<128xi32, #tpu.memory_space<vmem>>) semaphore(%arg23 : memref<!tpu.dma_semaphore, #tpu.memory_space<semaphore_mem>>)
      %dma_wait3A_955 = arith.constant 0 : i32
      %dma_wait3A_956 = arith.constant 0 : i32
      %dma_wait3A_957 = tpu.memref_slice %arg5[%dma_wait3A_955, %dma_wait3A_956] : memref<100000x128xf32, #tpu.memory_space<hbm>> -> memref<100000x128xf32, #tpu.memory_space<hbm>>
      tpu.wait_indirect_dma semaphore(%arg22 : memref<!tpu.dma_semaphore, #tpu.memory_space<semaphore_mem>>) src(%dma_wait3A_957 : memref<100000x128xf32, #tpu.memory_space<hbm>>) dst(%arg16 : memref<128x128xf32, #tpu.memory_space<vmem>>)
      %dma_wait3A_958 = arith.constant 0 : i32
      %dma_wait3A_959 = arith.constant 0 : i32
      %dma_wait3A_960 = tpu.memref_slice %arg6[%dma_wait3A_958, %dma_wait3A_959] : memref<416x128xf32, #tpu.memory_space<hbm>> -> memref<416x128xf32, #tpu.memory_space<hbm>>
      tpu.wait_indirect_dma semaphore(%arg22 : memref<!tpu.dma_semaphore, #tpu.memory_space<semaphore_mem>>) src(%dma_wait3A_960 : memref<416x128xf32, #tpu.memory_space<hbm>>) dst(%arg18 : memref<128x128xf32, #tpu.memory_space<vmem>>)
      %add3A_961 = arith.constant 2 : i32
      %add3A_962 = arith.addi %add3A_818, %add3A_961 : i32
      %mul3A_963 = arith.constant 128 : i32
      %mul3A_964 = arith.muli %add3A_962, %mul3A_963 : i32
      %add3A_965 = arith.addi %mul3A_2, %mul3A_964 : i32
      %dma_start3A_966 = tpu.memref_slice %arg2[%add3A_965] : memref<3276800xi32, #tpu.memory_space<hbm>> -> memref<128xi32, #tpu.memory_space<hbm>>
      %dma_start3A_967 = tpu.memref_slice %arg2[%add3A_965] : memref<3276800xi32, #tpu.memory_space<hbm>> -> memref<128xi32, #tpu.memory_space<hbm>>
      tpu.enqueue_dma source(%dma_start3A_967 : memref<128xi32, #tpu.memory_space<hbm>>) target(%arg8 : memref<128xi32, #tpu.memory_space<vmem>>) target_semaphore(%arg20 : memref<!tpu.dma_semaphore, #tpu.memory_space<semaphore_mem>>)
      %dma_start3A_968 = tpu.memref_slice %arg3[%add3A_965] : memref<3276800xi32, #tpu.memory_space<hbm>> -> memref<128xi32, #tpu.memory_space<hbm>>
      %dma_start3A_969 = tpu.memref_slice %arg3[%add3A_965] : memref<3276800xi32, #tpu.memory_space<hbm>> -> memref<128xi32, #tpu.memory_space<hbm>>
      tpu.enqueue_dma source(%dma_start3A_969 : memref<128xi32, #tpu.memory_space<hbm>>) target(%arg10 : memref<128xi32, #tpu.memory_space<vmem>>) target_semaphore(%arg20 : memref<!tpu.dma_semaphore, #tpu.memory_space<semaphore_mem>>)
      %dma_start3A_970 = tpu.memref_slice %arg4[%add3A_965] : memref<3276800xi32, #tpu.memory_space<hbm>> -> memref<128xi32, #tpu.memory_space<hbm>>
      %dma_start3A_971 = tpu.memref_slice %arg4[%add3A_965] : memref<3276800xi32, #tpu.memory_space<hbm>> -> memref<128xi32, #tpu.memory_space<hbm>>
      tpu.enqueue_dma source(%dma_start3A_971 : memref<128xi32, #tpu.memory_space<hbm>>) target(%arg12 : memref<128xi32, #tpu.memory_space<vmem>>) target_semaphore(%arg20 : memref<!tpu.dma_semaphore, #tpu.memory_space<semaphore_mem>>)
      %scan3A_972 = arith.constant 0 : i32
      %scan3A_973 = arith.constant 128 : i32
      %scan3A_974 = arith.addi %scan3A_972, %scan3A_973 : i32
      %scan3A_975 = arith.constant 1 : i32
      scf.for %scan3A_984 = %scan3A_972 to %scan3A_974 step %scan3A_975  : i32 {
        %mul3A_985 = arith.constant 1 : i32
        %mul3A_986 = arith.muli %scan3A_984, %mul3A_985 : i32
        %add3A_987 = arith.constant 0 : i32
        %add3A_988 = arith.addi %add3A_987, %mul3A_986 : i32
        %get3A_989 = arith.index_cast %add3A_988 : i32 to index
        %get3A_990 = arith.constant 0 : index
        %get3A_991 = tpu.vector_load %arg18[%get3A_989, %get3A_990] {strides = array<i32>} : memref<128x128xf32, #tpu.memory_space<vmem>>, vector<1x16xf32>,
        %get3A_992 = vector.shape_cast %get3A_991 : vector<1x16xf32> to vector<16xf32>
        %swap3A_993 = arith.index_cast %add3A_988 : i32 to index
        %swap3A_994 = arith.constant 0 : index
        %swap3A_995 = tpu.vector_load %arg16[%swap3A_993, %swap3A_994] {strides = array<i32>} : memref<128x128xf32, #tpu.memory_space<vmem>>, vector<1x16xf32>,
        %swap3A_996 = vector.shape_cast %swap3A_995 : vector<1x16xf32> to vector<16xf32>
        %swap3A_997 = vector.shape_cast %get3A_992 : vector<16xf32> to vector<1x16xf32>
        tpu.vector_store %arg16[%swap3A_993, %swap3A_994], %swap3A_997 {add = true, strides = array<i32>} : memref<128x128xf32, #tpu.memory_space<vmem>>, vector<1x16xf32>,
        %get3A_998 = arith.index_cast %add3A_988 : i32 to index
        %get3A_999 = arith.constant 16 : index
        %get3A_1000 = tpu.vector_load %arg18[%get3A_998, %get3A_999] {strides = array<i32>} : memref<128x128xf32, #tpu.memory_space<vmem>>, vector<1x16xf32>,
        %get3A_1001 = vector.shape_cast %get3A_1000 : vector<1x16xf32> to vector<16xf32>
        %swap3A_1002 = arith.index_cast %add3A_988 : i32 to index
        %swap3A_1003 = arith.constant 16 : index
        %swap3A_1004 = tpu.vector_load %arg16[%swap3A_1002, %swap3A_1003] {strides = array<i32>} : memref<128x128xf32, #tpu.memory_space<vmem>>, vector<1x16xf32>,
        %swap3A_1005 = vector.shape_cast %swap3A_1004 : vector<1x16xf32> to vector<16xf32>
        %swap3A_1006 = vector.shape_cast %get3A_1001 : vector<16xf32> to vector<1x16xf32>
        tpu.vector_store %arg16[%swap3A_1002, %swap3A_1003], %swap3A_1006 {add = true, strides = array<i32>} : memref<128x128xf32, #tpu.memory_space<vmem>>, vector<1x16xf32>,
        %get3A_1007 = arith.index_cast %add3A_988 : i32 to index
        %get3A_1008 = arith.constant 32 : index
        %get3A_1009 = tpu.vector_load %arg18[%get3A_1007, %get3A_1008] {strides = array<i32>} : memref<128x128xf32, #tpu.memory_space<vmem>>, vector<1x16xf32>,
        %get3A_1010 = vector.shape_cast %get3A_1009 : vector<1x16xf32> to vector<16xf32>
        %swap3A_1011 = arith.index_cast %add3A_988 : i32 to index
        %swap3A_1012 = arith.constant 32 : index
        %swap3A_1013 = tpu.vector_load %arg16[%swap3A_1011, %swap3A_1012] {strides = array<i32>} : memref<128x128xf32, #tpu.memory_space<vmem>>, vector<1x16xf32>,
        %swap3A_1014 = vector.shape_cast %swap3A_1013 : vector<1x16xf32> to vector<16xf32>
        %swap3A_1015 = vector.shape_cast %get3A_1010 : vector<16xf32> to vector<1x16xf32>
        tpu.vector_store %arg16[%swap3A_1011, %swap3A_1012], %swap3A_1015 {add = true, strides = array<i32>} : memref<128x128xf32, #tpu.memory_space<vmem>>, vector<1x16xf32>,
        %get3A_1016 = arith.index_cast %add3A_988 : i32 to index
        %get3A_1017 = arith.constant 48 : index
        %get3A_1018 = tpu.vector_load %arg18[%get3A_1016, %get3A_1017] {strides = array<i32>} : memref<128x128xf32, #tpu.memory_space<vmem>>, vector<1x16xf32>,
        %get3A_1019 = vector.shape_cast %get3A_1018 : vector<1x16xf32> to vector<16xf32>
        %swap3A_1020 = arith.index_cast %add3A_988 : i32 to index
        %swap3A_1021 = arith.constant 48 : index
        %swap3A_1022 = tpu.vector_load %arg16[%swap3A_1020, %swap3A_1021] {strides = array<i32>} : memref<128x128xf32, #tpu.memory_space<vmem>>, vector<1x16xf32>,
        %swap3A_1023 = vector.shape_cast %swap3A_1022 : vector<1x16xf32> to vector<16xf32>
        %swap3A_1024 = vector.shape_cast %get3A_1019 : vector<16xf32> to vector<1x16xf32>
        tpu.vector_store %arg16[%swap3A_1020, %swap3A_1021], %swap3A_1024 {add = true, strides = array<i32>} : memref<128x128xf32, #tpu.memory_space<vmem>>, vector<1x16xf32>,
        %get3A_1025 = arith.index_cast %add3A_988 : i32 to index
        %get3A_1026 = arith.constant 64 : index
        %get3A_1027 = tpu.vector_load %arg18[%get3A_1025, %get3A_1026] {strides = array<i32>} : memref<128x128xf32, #tpu.memory_space<vmem>>, vector<1x16xf32>,
        %get3A_1028 = vector.shape_cast %get3A_1027 : vector<1x16xf32> to vector<16xf32>
        %swap3A_1029 = arith.index_cast %add3A_988 : i32 to index
        %swap3A_1030 = arith.constant 64 : index
        %swap3A_1031 = tpu.vector_load %arg16[%swap3A_1029, %swap3A_1030] {strides = array<i32>} : memref<128x128xf32, #tpu.memory_space<vmem>>, vector<1x16xf32>,
        %swap3A_1032 = vector.shape_cast %swap3A_1031 : vector<1x16xf32> to vector<16xf32>
        %swap3A_1033 = vector.shape_cast %get3A_1028 : vector<16xf32> to vector<1x16xf32>
        tpu.vector_store %arg16[%swap3A_1029, %swap3A_1030], %swap3A_1033 {add = true, strides = array<i32>} : memref<128x128xf32, #tpu.memory_space<vmem>>, vector<1x16xf32>,
        %get3A_1034 = arith.index_cast %add3A_988 : i32 to index
        %get3A_1035 = arith.constant 80 : index
        %get3A_1036 = tpu.vector_load %arg18[%get3A_1034, %get3A_1035] {strides = array<i32>} : memref<128x128xf32, #tpu.memory_space<vmem>>, vector<1x16xf32>,
        %get3A_1037 = vector.shape_cast %get3A_1036 : vector<1x16xf32> to vector<16xf32>
        %swap3A_1038 = arith.index_cast %add3A_988 : i32 to index
        %swap3A_1039 = arith.constant 80 : index
        %swap3A_1040 = tpu.vector_load %arg16[%swap3A_1038, %swap3A_1039] {strides = array<i32>} : memref<128x128xf32, #tpu.memory_space<vmem>>, vector<1x16xf32>,
        %swap3A_1041 = vector.shape_cast %swap3A_1040 : vector<1x16xf32> to vector<16xf32>
        %swap3A_1042 = vector.shape_cast %get3A_1037 : vector<16xf32> to vector<1x16xf32>
        tpu.vector_store %arg16[%swap3A_1038, %swap3A_1039], %swap3A_1042 {add = true, strides = array<i32>} : memref<128x128xf32, #tpu.memory_space<vmem>>, vector<1x16xf32>,
        %get3A_1043 = arith.index_cast %add3A_988 : i32 to index
        %get3A_1044 = arith.constant 96 : index
        %get3A_1045 = tpu.vector_load %arg18[%get3A_1043, %get3A_1044] {strides = array<i32>} : memref<128x128xf32, #tpu.memory_space<vmem>>, vector<1x16xf32>,
        %get3A_1046 = vector.shape_cast %get3A_1045 : vector<1x16xf32> to vector<16xf32>
        %swap3A_1047 = arith.index_cast %add3A_988 : i32 to index
        %swap3A_1048 = arith.constant 96 : index
        %swap3A_1049 = tpu.vector_load %arg16[%swap3A_1047, %swap3A_1048] {strides = array<i32>} : memref<128x128xf32, #tpu.memory_space<vmem>>, vector<1x16xf32>,
        %swap3A_1050 = vector.shape_cast %swap3A_1049 : vector<1x16xf32> to vector<16xf32>
        %swap3A_1051 = vector.shape_cast %get3A_1046 : vector<16xf32> to vector<1x16xf32>
        tpu.vector_store %arg16[%swap3A_1047, %swap3A_1048], %swap3A_1051 {add = true, strides = array<i32>} : memref<128x128xf32, #tpu.memory_space<vmem>>, vector<1x16xf32>,
        %get3A_1052 = arith.index_cast %add3A_988 : i32 to index
        %get3A_1053 = arith.constant 112 : index
        %get3A_1054 = tpu.vector_load %arg18[%get3A_1052, %get3A_1053] {strides = array<i32>} : memref<128x128xf32, #tpu.memory_space<vmem>>, vector<1x16xf32>,
        %get3A_1055 = vector.shape_cast %get3A_1054 : vector<1x16xf32> to vector<16xf32>
        %swap3A_1056 = arith.index_cast %add3A_988 : i32 to index
        %swap3A_1057 = arith.constant 112 : index
        %swap3A_1058 = tpu.vector_load %arg16[%swap3A_1056, %swap3A_1057] {strides = array<i32>} : memref<128x128xf32, #tpu.memory_space<vmem>>, vector<1x16xf32>,
        %swap3A_1059 = vector.shape_cast %swap3A_1058 : vector<1x16xf32> to vector<16xf32>
        %swap3A_1060 = vector.shape_cast %get3A_1055 : vector<16xf32> to vector<1x16xf32>
        tpu.vector_store %arg16[%swap3A_1056, %swap3A_1057], %swap3A_1060 {add = true, strides = array<i32>} : memref<128x128xf32, #tpu.memory_space<vmem>>, vector<1x16xf32>,
      }
      %scan3A_976 = arith.constant 128 : i32
      %mul3A_977 = arith.constant 128 : i32
      %mul3A_978 = arith.muli %add3A_818, %mul3A_977 : i32
      %add3A_979 = arith.addi %mul3A_2, %mul3A_978 : i32
      %dma_start3A_980 = arith.constant 0 : i32
      %dma_start3A_981 = tpu.memref_slice %arg7[%add3A_979, %dma_start3A_980] : memref<3276800x128xf32, #tpu.memory_space<hbm>> -> memref<128x128xf32, #tpu.memory_space<hbm>>
      %dma_start3A_982 = arith.constant 0 : i32
      %dma_start3A_983 = tpu.memref_slice %arg7[%add3A_979, %dma_start3A_982] : memref<3276800x128xf32, #tpu.memory_space<hbm>> -> memref<128x128xf32, #tpu.memory_space<hbm>>
      tpu.enqueue_dma source(%arg16 : memref<128x128xf32, #tpu.memory_space<vmem>>) target(%dma_start3A_983 : memref<128x128xf32, #tpu.memory_space<hbm>>) target_semaphore(%arg24 : memref<!tpu.dma_semaphore, #tpu.memory_space<semaphore_mem>>)
    }
    %scan3A_303 = arith.constant 398 : i32
    %dma_wait3A_304 = arith.constant 0 : i32
    %dma_wait3A_305 = tpu.memref_slice %arg2[%dma_wait3A_304] : memref<3276800xi32, #tpu.memory_space<hbm>> -> memref<128xi32, #tpu.memory_space<hbm>>
    %dma_wait3A_306 = arith.constant 0 : i32
    %dma_wait3A_307 = tpu.memref_slice %arg2[%dma_wait3A_306] : memref<3276800xi32, #tpu.memory_space<hbm>> -> memref<128xi32, #tpu.memory_space<hbm>>
    tpu.wait_dma2 semaphore(%arg20 : memref<!tpu.dma_semaphore, #tpu.memory_space<semaphore_mem>>) src(%dma_wait3A_307 : memref<128xi32, #tpu.memory_space<hbm>>) dst(%arg8 : memref<128xi32, #tpu.memory_space<vmem>>)
    %dma_wait3A_308 = arith.constant 0 : i32
    %dma_wait3A_309 = tpu.memref_slice %arg3[%dma_wait3A_308] : memref<3276800xi32, #tpu.memory_space<hbm>> -> memref<128xi32, #tpu.memory_space<hbm>>
    %dma_wait3A_310 = arith.constant 0 : i32
    %dma_wait3A_311 = tpu.memref_slice %arg3[%dma_wait3A_310] : memref<3276800xi32, #tpu.memory_space<hbm>> -> memref<128xi32, #tpu.memory_space<hbm>>
    tpu.wait_dma2 semaphore(%arg20 : memref<!tpu.dma_semaphore, #tpu.memory_space<semaphore_mem>>) src(%dma_wait3A_311 : memref<128xi32, #tpu.memory_space<hbm>>) dst(%arg10 : memref<128xi32, #tpu.memory_space<vmem>>)
    %dma_wait3A_312 = arith.constant 0 : i32
    %dma_wait3A_313 = tpu.memref_slice %arg4[%dma_wait3A_312] : memref<3276800xi32, #tpu.memory_space<hbm>> -> memref<128xi32, #tpu.memory_space<hbm>>
    %dma_wait3A_314 = arith.constant 0 : i32
    %dma_wait3A_315 = tpu.memref_slice %arg4[%dma_wait3A_314] : memref<3276800xi32, #tpu.memory_space<hbm>> -> memref<128xi32, #tpu.memory_space<hbm>>
    tpu.wait_dma2 semaphore(%arg20 : memref<!tpu.dma_semaphore, #tpu.memory_space<semaphore_mem>>) src(%dma_wait3A_315 : memref<128xi32, #tpu.memory_space<hbm>>) dst(%arg12 : memref<128xi32, #tpu.memory_space<vmem>>)
    %get3A_316 = arith.constant 0 : index
    %get3A_317 = tpu.vector_load %arg10[%get3A_316] {strides = array<i32>} : memref<128xi32, #tpu.memory_space<vmem>>, vector<16xi32>,
    %get3A_318 = vector.shape_cast %get3A_317 : vector<16xi32> to vector<16xi32>
    %mul3A_319 = arith.constant 32 : i32
    %mul3A_320 = vector.broadcast %mul3A_319 : i32 to vector<16xi32>
    %mul3A_321 = arith.muli %get3A_318, %mul3A_320 : vector<16xi32>
    %get3A_322 = arith.constant 0 : index
    %get3A_323 = tpu.vector_load %arg12[%get3A_322] {strides = array<i32>} : memref<128xi32, #tpu.memory_space<vmem>>, vector<16xi32>,
    %get3A_324 = vector.shape_cast %get3A_323 : vector<16xi32> to vector<16xi32>
    %add3A_325 = arith.addi %mul3A_321, %get3A_324 : vector<16xi32>
    %swap3A_326 = arith.constant 0 : index
    %swap3A_327 = tpu.vector_load %arg14[%swap3A_326] {strides = array<i32>} : memref<128xi32, #tpu.memory_space<vmem>>, vector<16xi32>,
    %swap3A_328 = vector.shape_cast %swap3A_327 : vector<16xi32> to vector<16xi32>
    %swap3A_329 = vector.shape_cast %add3A_325 : vector<16xi32> to vector<16xi32>
    tpu.vector_store %arg14[%swap3A_326], %swap3A_329 {strides = array<i32>} : memref<128xi32, #tpu.memory_space<vmem>>, vector<16xi32>,
    %get3A_330 = arith.constant 16 : index
    %get3A_331 = tpu.vector_load %arg10[%get3A_330] {strides = array<i32>} : memref<128xi32, #tpu.memory_space<vmem>>, vector<16xi32>,
    %get3A_332 = vector.shape_cast %get3A_331 : vector<16xi32> to vector<16xi32>
    %mul3A_333 = arith.constant 32 : i32
    %mul3A_334 = vector.broadcast %mul3A_333 : i32 to vector<16xi32>
    %mul3A_335 = arith.muli %get3A_332, %mul3A_334 : vector<16xi32>
    %get3A_336 = arith.constant 16 : index
    %get3A_337 = tpu.vector_load %arg12[%get3A_336] {strides = array<i32>} : memref<128xi32, #tpu.memory_space<vmem>>, vector<16xi32>,
    %get3A_338 = vector.shape_cast %get3A_337 : vector<16xi32> to vector<16xi32>
    %add3A_339 = arith.addi %mul3A_335, %get3A_338 : vector<16xi32>
    %swap3A_340 = arith.constant 16 : index
    %swap3A_341 = tpu.vector_load %arg14[%swap3A_340] {strides = array<i32>} : memref<128xi32, #tpu.memory_space<vmem>>, vector<16xi32>,
    %swap3A_342 = vector.shape_cast %swap3A_341 : vector<16xi32> to vector<16xi32>
    %swap3A_343 = vector.shape_cast %add3A_339 : vector<16xi32> to vector<16xi32>
    tpu.vector_store %arg14[%swap3A_340], %swap3A_343 {strides = array<i32>} : memref<128xi32, #tpu.memory_space<vmem>>, vector<16xi32>,
    %get3A_344 = arith.constant 32 : index
    %get3A_345 = tpu.vector_load %arg10[%get3A_344] {strides = array<i32>} : memref<128xi32, #tpu.memory_space<vmem>>, vector<16xi32>,
    %get3A_346 = vector.shape_cast %get3A_345 : vector<16xi32> to vector<16xi32>
    %mul3A_347 = arith.constant 32 : i32
    %mul3A_348 = vector.broadcast %mul3A_347 : i32 to vector<16xi32>
    %mul3A_349 = arith.muli %get3A_346, %mul3A_348 : vector<16xi32>
    %get3A_350 = arith.constant 32 : index
    %get3A_351 = tpu.vector_load %arg12[%get3A_350] {strides = array<i32>} : memref<128xi32, #tpu.memory_space<vmem>>, vector<16xi32>,
    %get3A_352 = vector.shape_cast %get3A_351 : vector<16xi32> to vector<16xi32>
    %add3A_353 = arith.addi %mul3A_349, %get3A_352 : vector<16xi32>
    %swap3A_354 = arith.constant 32 : index
    %swap3A_355 = tpu.vector_load %arg14[%swap3A_354] {strides = array<i32>} : memref<128xi32, #tpu.memory_space<vmem>>, vector<16xi32>,
    %swap3A_356 = vector.shape_cast %swap3A_355 : vector<16xi32> to vector<16xi32>
    %swap3A_357 = vector.shape_cast %add3A_353 : vector<16xi32> to vector<16xi32>
    tpu.vector_store %arg14[%swap3A_354], %swap3A_357 {strides = array<i32>} : memref<128xi32, #tpu.memory_space<vmem>>, vector<16xi32>,
    %get3A_358 = arith.constant 48 : index
    %get3A_359 = tpu.vector_load %arg10[%get3A_358] {strides = array<i32>} : memref<128xi32, #tpu.memory_space<vmem>>, vector<16xi32>,
    %get3A_360 = vector.shape_cast %get3A_359 : vector<16xi32> to vector<16xi32>
    %mul3A_361 = arith.constant 32 : i32
    %mul3A_362 = vector.broadcast %mul3A_361 : i32 to vector<16xi32>
    %mul3A_363 = arith.muli %get3A_360, %mul3A_362 : vector<16xi32>
    %get3A_364 = arith.constant 48 : index
    %get3A_365 = tpu.vector_load %arg12[%get3A_364] {strides = array<i32>} : memref<128xi32, #tpu.memory_space<vmem>>, vector<16xi32>,
    %get3A_366 = vector.shape_cast %get3A_365 : vector<16xi32> to vector<16xi32>
    %add3A_367 = arith.addi %mul3A_363, %get3A_366 : vector<16xi32>
    %swap3A_368 = arith.constant 48 : index
    %swap3A_369 = tpu.vector_load %arg14[%swap3A_368] {strides = array<i32>} : memref<128xi32, #tpu.memory_space<vmem>>, vector<16xi32>,
    %swap3A_370 = vector.shape_cast %swap3A_369 : vector<16xi32> to vector<16xi32>
    %swap3A_371 = vector.shape_cast %add3A_367 : vector<16xi32> to vector<16xi32>
    tpu.vector_store %arg14[%swap3A_368], %swap3A_371 {strides = array<i32>} : memref<128xi32, #tpu.memory_space<vmem>>, vector<16xi32>,
    %get3A_372 = arith.constant 64 : index
    %get3A_373 = tpu.vector_load %arg10[%get3A_372] {strides = array<i32>} : memref<128xi32, #tpu.memory_space<vmem>>, vector<16xi32>,
    %get3A_374 = vector.shape_cast %get3A_373 : vector<16xi32> to vector<16xi32>
    %mul3A_375 = arith.constant 32 : i32
    %mul3A_376 = vector.broadcast %mul3A_375 : i32 to vector<16xi32>
    %mul3A_377 = arith.muli %get3A_374, %mul3A_376 : vector<16xi32>
    %get3A_378 = arith.constant 64 : index
    %get3A_379 = tpu.vector_load %arg12[%get3A_378] {strides = array<i32>} : memref<128xi32, #tpu.memory_space<vmem>>, vector<16xi32>,
    %get3A_380 = vector.shape_cast %get3A_379 : vector<16xi32> to vector<16xi32>
    %add3A_381 = arith.addi %mul3A_377, %get3A_380 : vector<16xi32>
    %swap3A_382 = arith.constant 64 : index
    %swap3A_383 = tpu.vector_load %arg14[%swap3A_382] {strides = array<i32>} : memref<128xi32, #tpu.memory_space<vmem>>, vector<16xi32>,
    %swap3A_384 = vector.shape_cast %swap3A_383 : vector<16xi32> to vector<16xi32>
    %swap3A_385 = vector.shape_cast %add3A_381 : vector<16xi32> to vector<16xi32>
    tpu.vector_store %arg14[%swap3A_382], %swap3A_385 {strides = array<i32>} : memref<128xi32, #tpu.memory_space<vmem>>, vector<16xi32>,
    %get3A_386 = arith.constant 80 : index
    %get3A_387 = tpu.vector_load %arg10[%get3A_386] {strides = array<i32>} : memref<128xi32, #tpu.memory_space<vmem>>, vector<16xi32>,
    %get3A_388 = vector.shape_cast %get3A_387 : vector<16xi32> to vector<16xi32>
    %mul3A_389 = arith.constant 32 : i32
    %mul3A_390 = vector.broadcast %mul3A_389 : i32 to vector<16xi32>
    %mul3A_391 = arith.muli %get3A_388, %mul3A_390 : vector<16xi32>
    %get3A_392 = arith.constant 80 : index
    %get3A_393 = tpu.vector_load %arg12[%get3A_392] {strides = array<i32>} : memref<128xi32, #tpu.memory_space<vmem>>, vector<16xi32>,
    %get3A_394 = vector.shape_cast %get3A_393 : vector<16xi32> to vector<16xi32>
    %add3A_395 = arith.addi %mul3A_391, %get3A_394 : vector<16xi32>
    %swap3A_396 = arith.constant 80 : index
    %swap3A_397 = tpu.vector_load %arg14[%swap3A_396] {strides = array<i32>} : memref<128xi32, #tpu.memory_space<vmem>>, vector<16xi32>,
    %swap3A_398 = vector.shape_cast %swap3A_397 : vector<16xi32> to vector<16xi32>
    %swap3A_399 = vector.shape_cast %add3A_395 : vector<16xi32> to vector<16xi32>
    tpu.vector_store %arg14[%swap3A_396], %swap3A_399 {strides = array<i32>} : memref<128xi32, #tpu.memory_space<vmem>>, vector<16xi32>,
    %get3A_400 = arith.constant 96 : index
    %get3A_401 = tpu.vector_load %arg10[%get3A_400] {strides = array<i32>} : memref<128xi32, #tpu.memory_space<vmem>>, vector<16xi32>,
    %get3A_402 = vector.shape_cast %get3A_401 : vector<16xi32> to vector<16xi32>
    %mul3A_403 = arith.constant 32 : i32
    %mul3A_404 = vector.broadcast %mul3A_403 : i32 to vector<16xi32>
    %mul3A_405 = arith.muli %get3A_402, %mul3A_404 : vector<16xi32>
    %get3A_406 = arith.constant 96 : index
    %get3A_407 = tpu.vector_load %arg12[%get3A_406] {strides = array<i32>} : memref<128xi32, #tpu.memory_space<vmem>>, vector<16xi32>,
    %get3A_408 = vector.shape_cast %get3A_407 : vector<16xi32> to vector<16xi32>
    %add3A_409 = arith.addi %mul3A_405, %get3A_408 : vector<16xi32>
    %swap3A_410 = arith.constant 96 : index
    %swap3A_411 = tpu.vector_load %arg14[%swap3A_410] {strides = array<i32>} : memref<128xi32, #tpu.memory_space<vmem>>, vector<16xi32>,
    %swap3A_412 = vector.shape_cast %swap3A_411 : vector<16xi32> to vector<16xi32>
    %swap3A_413 = vector.shape_cast %add3A_409 : vector<16xi32> to vector<16xi32>
    tpu.vector_store %arg14[%swap3A_410], %swap3A_413 {strides = array<i32>} : memref<128xi32, #tpu.memory_space<vmem>>, vector<16xi32>,
    %get3A_414 = arith.constant 112 : index
    %get3A_415 = tpu.vector_load %arg10[%get3A_414] {strides = array<i32>} : memref<128xi32, #tpu.memory_space<vmem>>, vector<16xi32>,
    %get3A_416 = vector.shape_cast %get3A_415 : vector<16xi32> to vector<16xi32>
    %mul3A_417 = arith.constant 32 : i32
    %mul3A_418 = vector.broadcast %mul3A_417 : i32 to vector<16xi32>
    %mul3A_419 = arith.muli %get3A_416, %mul3A_418 : vector<16xi32>
    %get3A_420 = arith.constant 112 : index
    %get3A_421 = tpu.vector_load %arg12[%get3A_420] {strides = array<i32>} : memref<128xi32, #tpu.memory_space<vmem>>, vector<16xi32>,
    %get3A_422 = vector.shape_cast %get3A_421 : vector<16xi32> to vector<16xi32>
    %add3A_423 = arith.addi %mul3A_419, %get3A_422 : vector<16xi32>
    %swap3A_424 = arith.constant 112 : index
    %swap3A_425 = tpu.vector_load %arg14[%swap3A_424] {strides = array<i32>} : memref<128xi32, #tpu.memory_space<vmem>>, vector<16xi32>,
    %swap3A_426 = vector.shape_cast %swap3A_425 : vector<16xi32> to vector<16xi32>
    %swap3A_427 = vector.shape_cast %add3A_423 : vector<16xi32> to vector<16xi32>
    tpu.vector_store %arg14[%swap3A_424], %swap3A_427 {strides = array<i32>} : memref<128xi32, #tpu.memory_space<vmem>>, vector<16xi32>,
    %dma_wait3A_428 = arith.constant 0 : i32
    %dma_wait3A_429 = arith.constant 0 : i32
    %dma_wait3A_430 = tpu.memref_slice %arg7[%dma_wait3A_428, %dma_wait3A_429] : memref<3276800x128xf32, #tpu.memory_space<hbm>> -> memref<128x128xf32, #tpu.memory_space<hbm>>
    %dma_wait3A_431 = arith.constant 0 : i32
    %dma_wait3A_432 = arith.constant 0 : i32
    %dma_wait3A_433 = tpu.memref_slice %arg7[%dma_wait3A_431, %dma_wait3A_432] : memref<3276800x128xf32, #tpu.memory_space<hbm>> -> memref<128x128xf32, #tpu.memory_space<hbm>>
    tpu.wait_dma2 semaphore(%arg24 : memref<!tpu.dma_semaphore, #tpu.memory_space<semaphore_mem>>) src(%arg16 : memref<128x128xf32, #tpu.memory_space<vmem>>) dst(%dma_wait3A_433 : memref<128x128xf32, #tpu.memory_space<hbm>>)
    %dma_start3A_434 = arith.constant 0 : i32
    %dma_start3A_435 = arith.constant 0 : i32
    %dma_start3A_436 = tpu.memref_slice %arg5[%dma_start3A_434, %dma_start3A_435] : memref<100000x128xf32, #tpu.memory_space<hbm>> -> memref<100000x128xf32, #tpu.memory_space<hbm>>
    tpu.enqueue_indirect_dma source(%dma_start3A_436 : memref<100000x128xf32, #tpu.memory_space<hbm>>) target(%arg16 : memref<128x128xf32, #tpu.memory_space<vmem>>) offsets(%arg8 : memref<128xi32, #tpu.memory_space<vmem>>) semaphore(%arg22 : memref<!tpu.dma_semaphore, #tpu.memory_space<semaphore_mem>>)
    %dma_start3A_437 = arith.constant 0 : i32
    %dma_start3A_438 = arith.constant 0 : i32
    %dma_start3A_439 = tpu.memref_slice %arg6[%dma_start3A_437, %dma_start3A_438] : memref<416x128xf32, #tpu.memory_space<hbm>> -> memref<416x128xf32, #tpu.memory_space<hbm>>
    tpu.enqueue_indirect_dma source(%dma_start3A_439 : memref<416x128xf32, #tpu.memory_space<hbm>>) target(%arg18 : memref<128x128xf32, #tpu.memory_space<vmem>>) offsets(%arg14 : memref<128xi32, #tpu.memory_space<vmem>>) semaphore(%arg22 : memref<!tpu.dma_semaphore, #tpu.memory_space<semaphore_mem>>)
    %dma_wait3A_440 = arith.constant 0 : i32
    %dma_wait3A_441 = arith.constant 0 : i32
    %dma_wait3A_442 = tpu.memref_slice %arg5[%dma_wait3A_440, %dma_wait3A_441] : memref<100000x128xf32, #tpu.memory_space<hbm>> -> memref<100000x128xf32, #tpu.memory_space<hbm>>
    tpu.wait_indirect_dma semaphore(%arg23 : memref<!tpu.dma_semaphore, #tpu.memory_space<semaphore_mem>>) src(%dma_wait3A_442 : memref<100000x128xf32, #tpu.memory_space<hbm>>) dst(%arg17 : memref<128x128xf32, #tpu.memory_space<vmem>>)
    %dma_wait3A_443 = arith.constant 0 : i32
    %dma_wait3A_444 = arith.constant 0 : i32
    %dma_wait3A_445 = tpu.memref_slice %arg6[%dma_wait3A_443, %dma_wait3A_444] : memref<416x128xf32, #tpu.memory_space<hbm>> -> memref<416x128xf32, #tpu.memory_space<hbm>>
    tpu.wait_indirect_dma semaphore(%arg23 : memref<!tpu.dma_semaphore, #tpu.memory_space<semaphore_mem>>) src(%dma_wait3A_445 : memref<416x128xf32, #tpu.memory_space<hbm>>) dst(%arg19 : memref<128x128xf32, #tpu.memory_space<vmem>>)
    %add3A_446 = arith.constant 102272 : i32
    %add3A_447 = arith.addi %mul3A_2, %add3A_446 : i32
    %dma_start3A_448 = tpu.memref_slice %arg2[%add3A_447] : memref<3276800xi32, #tpu.memory_space<hbm>> -> memref<128xi32, #tpu.memory_space<hbm>>
    %dma_start3A_449 = tpu.memref_slice %arg2[%add3A_447] : memref<3276800xi32, #tpu.memory_space<hbm>> -> memref<128xi32, #tpu.memory_space<hbm>>
    tpu.enqueue_dma source(%dma_start3A_449 : memref<128xi32, #tpu.memory_space<hbm>>) target(%arg9 : memref<128xi32, #tpu.memory_space<vmem>>) target_semaphore(%arg21 : memref<!tpu.dma_semaphore, #tpu.memory_space<semaphore_mem>>)
    %dma_start3A_450 = tpu.memref_slice %arg3[%add3A_447] : memref<3276800xi32, #tpu.memory_space<hbm>> -> memref<128xi32, #tpu.memory_space<hbm>>
    %dma_start3A_451 = tpu.memref_slice %arg3[%add3A_447] : memref<3276800xi32, #tpu.memory_space<hbm>> -> memref<128xi32, #tpu.memory_space<hbm>>
    tpu.enqueue_dma source(%dma_start3A_451 : memref<128xi32, #tpu.memory_space<hbm>>) target(%arg11 : memref<128xi32, #tpu.memory_space<vmem>>) target_semaphore(%arg21 : memref<!tpu.dma_semaphore, #tpu.memory_space<semaphore_mem>>)
    %dma_start3A_452 = tpu.memref_slice %arg4[%add3A_447] : memref<3276800xi32, #tpu.memory_space<hbm>> -> memref<128xi32, #tpu.memory_space<hbm>>
    %dma_start3A_453 = tpu.memref_slice %arg4[%add3A_447] : memref<3276800xi32, #tpu.memory_space<hbm>> -> memref<128xi32, #tpu.memory_space<hbm>>
    tpu.enqueue_dma source(%dma_start3A_453 : memref<128xi32, #tpu.memory_space<hbm>>) target(%arg13 : memref<128xi32, #tpu.memory_space<vmem>>) target_semaphore(%arg21 : memref<!tpu.dma_semaphore, #tpu.memory_space<semaphore_mem>>)
    %scan3A_454 = arith.constant 0 : i32
    %scan3A_455 = arith.constant 128 : i32
    %scan3A_456 = arith.addi %scan3A_454, %scan3A_455 : i32
    %scan3A_457 = arith.constant 1 : i32
    scf.for %scan3A_647 = %scan3A_454 to %scan3A_456 step %scan3A_457  : i32 {
      %mul3A_648 = arith.constant 1 : i32
      %mul3A_649 = arith.muli %scan3A_647, %mul3A_648 : i32
      %add3A_650 = arith.constant 0 : i32
      %add3A_651 = arith.addi %add3A_650, %mul3A_649 : i32
      %get3A_652 = arith.index_cast %add3A_651 : i32 to index
      %get3A_653 = arith.constant 0 : index
      %get3A_654 = tpu.vector_load %arg19[%get3A_652, %get3A_653] {strides = array<i32>} : memref<128x128xf32, #tpu.memory_space<vmem>>, vector<1x16xf32>,
      %get3A_655 = vector.shape_cast %get3A_654 : vector<1x16xf32> to vector<16xf32>
      %swap3A_656 = arith.index_cast %add3A_651 : i32 to index
      %swap3A_657 = arith.constant 0 : index
      %swap3A_658 = tpu.vector_load %arg17[%swap3A_656, %swap3A_657] {strides = array<i32>} : memref<128x128xf32, #tpu.memory_space<vmem>>, vector<1x16xf32>,
      %swap3A_659 = vector.shape_cast %swap3A_658 : vector<1x16xf32> to vector<16xf32>
      %swap3A_660 = vector.shape_cast %get3A_655 : vector<16xf32> to vector<1x16xf32>
      tpu.vector_store %arg17[%swap3A_656, %swap3A_657], %swap3A_660 {add = true, strides = array<i32>} : memref<128x128xf32, #tpu.memory_space<vmem>>, vector<1x16xf32>,
      %get3A_661 = arith.index_cast %add3A_651 : i32 to index
      %get3A_662 = arith.constant 16 : index
      %get3A_663 = tpu.vector_load %arg19[%get3A_661, %get3A_662] {strides = array<i32>} : memref<128x128xf32, #tpu.memory_space<vmem>>, vector<1x16xf32>,
      %get3A_664 = vector.shape_cast %get3A_663 : vector<1x16xf32> to vector<16xf32>
      %swap3A_665 = arith.index_cast %add3A_651 : i32 to index
      %swap3A_666 = arith.constant 16 : index
      %swap3A_667 = tpu.vector_load %arg17[%swap3A_665, %swap3A_666] {strides = array<i32>} : memref<128x128xf32, #tpu.memory_space<vmem>>, vector<1x16xf32>,
      %swap3A_668 = vector.shape_cast %swap3A_667 : vector<1x16xf32> to vector<16xf32>
      %swap3A_669 = vector.shape_cast %get3A_664 : vector<16xf32> to vector<1x16xf32>
      tpu.vector_store %arg17[%swap3A_665, %swap3A_666], %swap3A_669 {add = true, strides = array<i32>} : memref<128x128xf32, #tpu.memory_space<vmem>>, vector<1x16xf32>,
      %get3A_670 = arith.index_cast %add3A_651 : i32 to index
      %get3A_671 = arith.constant 32 : index
      %get3A_672 = tpu.vector_load %arg19[%get3A_670, %get3A_671] {strides = array<i32>} : memref<128x128xf32, #tpu.memory_space<vmem>>, vector<1x16xf32>,
      %get3A_673 = vector.shape_cast %get3A_672 : vector<1x16xf32> to vector<16xf32>
      %swap3A_674 = arith.index_cast %add3A_651 : i32 to index
      %swap3A_675 = arith.constant 32 : index
      %swap3A_676 = tpu.vector_load %arg17[%swap3A_674, %swap3A_675] {strides = array<i32>} : memref<128x128xf32, #tpu.memory_space<vmem>>, vector<1x16xf32>,
      %swap3A_677 = vector.shape_cast %swap3A_676 : vector<1x16xf32> to vector<16xf32>
      %swap3A_678 = vector.shape_cast %get3A_673 : vector<16xf32> to vector<1x16xf32>
      tpu.vector_store %arg17[%swap3A_674, %swap3A_675], %swap3A_678 {add = true, strides = array<i32>} : memref<128x128xf32, #tpu.memory_space<vmem>>, vector<1x16xf32>,
      %get3A_679 = arith.index_cast %add3A_651 : i32 to index
      %get3A_680 = arith.constant 48 : index
      %get3A_681 = tpu.vector_load %arg19[%get3A_679, %get3A_680] {strides = array<i32>} : memref<128x128xf32, #tpu.memory_space<vmem>>, vector<1x16xf32>,
      %get3A_682 = vector.shape_cast %get3A_681 : vector<1x16xf32> to vector<16xf32>
      %swap3A_683 = arith.index_cast %add3A_651 : i32 to index
      %swap3A_684 = arith.constant 48 : index
      %swap3A_685 = tpu.vector_load %arg17[%swap3A_683, %swap3A_684] {strides = array<i32>} : memref<128x128xf32, #tpu.memory_space<vmem>>, vector<1x16xf32>,
      %swap3A_686 = vector.shape_cast %swap3A_685 : vector<1x16xf32> to vector<16xf32>
      %swap3A_687 = vector.shape_cast %get3A_682 : vector<16xf32> to vector<1x16xf32>
      tpu.vector_store %arg17[%swap3A_683, %swap3A_684], %swap3A_687 {add = true, strides = array<i32>} : memref<128x128xf32, #tpu.memory_space<vmem>>, vector<1x16xf32>,
      %get3A_688 = arith.index_cast %add3A_651 : i32 to index
      %get3A_689 = arith.constant 64 : index
      %get3A_690 = tpu.vector_load %arg19[%get3A_688, %get3A_689] {strides = array<i32>} : memref<128x128xf32, #tpu.memory_space<vmem>>, vector<1x16xf32>,
      %get3A_691 = vector.shape_cast %get3A_690 : vector<1x16xf32> to vector<16xf32>
      %swap3A_692 = arith.index_cast %add3A_651 : i32 to index
      %swap3A_693 = arith.constant 64 : index
      %swap3A_694 = tpu.vector_load %arg17[%swap3A_692, %swap3A_693] {strides = array<i32>} : memref<128x128xf32, #tpu.memory_space<vmem>>, vector<1x16xf32>,
      %swap3A_695 = vector.shape_cast %swap3A_694 : vector<1x16xf32> to vector<16xf32>
      %swap3A_696 = vector.shape_cast %get3A_691 : vector<16xf32> to vector<1x16xf32>
      tpu.vector_store %arg17[%swap3A_692, %swap3A_693], %swap3A_696 {add = true, strides = array<i32>} : memref<128x128xf32, #tpu.memory_space<vmem>>, vector<1x16xf32>,
      %get3A_697 = arith.index_cast %add3A_651 : i32 to index
      %get3A_698 = arith.constant 80 : index
      %get3A_699 = tpu.vector_load %arg19[%get3A_697, %get3A_698] {strides = array<i32>} : memref<128x128xf32, #tpu.memory_space<vmem>>, vector<1x16xf32>,
      %get3A_700 = vector.shape_cast %get3A_699 : vector<1x16xf32> to vector<16xf32>
      %swap3A_701 = arith.index_cast %add3A_651 : i32 to index
      %swap3A_702 = arith.constant 80 : index
      %swap3A_703 = tpu.vector_load %arg17[%swap3A_701, %swap3A_702] {strides = array<i32>} : memref<128x128xf32, #tpu.memory_space<vmem>>, vector<1x16xf32>,
      %swap3A_704 = vector.shape_cast %swap3A_703 : vector<1x16xf32> to vector<16xf32>
      %swap3A_705 = vector.shape_cast %get3A_700 : vector<16xf32> to vector<1x16xf32>
      tpu.vector_store %arg17[%swap3A_701, %swap3A_702], %swap3A_705 {add = true, strides = array<i32>} : memref<128x128xf32, #tpu.memory_space<vmem>>, vector<1x16xf32>,
      %get3A_706 = arith.index_cast %add3A_651 : i32 to index
      %get3A_707 = arith.constant 96 : index
      %get3A_708 = tpu.vector_load %arg19[%get3A_706, %get3A_707] {strides = array<i32>} : memref<128x128xf32, #tpu.memory_space<vmem>>, vector<1x16xf32>,
      %get3A_709 = vector.shape_cast %get3A_708 : vector<1x16xf32> to vector<16xf32>
      %swap3A_710 = arith.index_cast %add3A_651 : i32 to index
      %swap3A_711 = arith.constant 96 : index
      %swap3A_712 = tpu.vector_load %arg17[%swap3A_710, %swap3A_711] {strides = array<i32>} : memref<128x128xf32, #tpu.memory_space<vmem>>, vector<1x16xf32>,
      %swap3A_713 = vector.shape_cast %swap3A_712 : vector<1x16xf32> to vector<16xf32>
      %swap3A_714 = vector.shape_cast %get3A_709 : vector<16xf32> to vector<1x16xf32>
      tpu.vector_store %arg17[%swap3A_710, %swap3A_711], %swap3A_714 {add = true, strides = array<i32>} : memref<128x128xf32, #tpu.memory_space<vmem>>, vector<1x16xf32>,
      %get3A_715 = arith.index_cast %add3A_651 : i32 to index
      %get3A_716 = arith.constant 112 : index
      %get3A_717 = tpu.vector_load %arg19[%get3A_715, %get3A_716] {strides = array<i32>} : memref<128x128xf32, #tpu.memory_space<vmem>>, vector<1x16xf32>,
      %get3A_718 = vector.shape_cast %get3A_717 : vector<1x16xf32> to vector<16xf32>
      %swap3A_719 = arith.index_cast %add3A_651 : i32 to index
      %swap3A_720 = arith.constant 112 : index
      %swap3A_721 = tpu.vector_load %arg17[%swap3A_719, %swap3A_720] {strides = array<i32>} : memref<128x128xf32, #tpu.memory_space<vmem>>, vector<1x16xf32>,
      %swap3A_722 = vector.shape_cast %swap3A_721 : vector<1x16xf32> to vector<16xf32>
      %swap3A_723 = vector.shape_cast %get3A_718 : vector<16xf32> to vector<1x16xf32>
      tpu.vector_store %arg17[%swap3A_719, %swap3A_720], %swap3A_723 {add = true, strides = array<i32>} : memref<128x128xf32, #tpu.memory_space<vmem>>, vector<1x16xf32>,
    }
    %scan3A_458 = arith.constant 128 : i32
    %add3A_459 = arith.constant 102016 : i32
    %add3A_460 = arith.addi %mul3A_2, %add3A_459 : i32
    %dma_start3A_461 = arith.constant 0 : i32
    %dma_start3A_462 = tpu.memref_slice %arg7[%add3A_460, %dma_start3A_461] : memref<3276800x128xf32, #tpu.memory_space<hbm>> -> memref<128x128xf32, #tpu.memory_space<hbm>>
    %dma_start3A_463 = arith.constant 0 : i32
    %dma_start3A_464 = tpu.memref_slice %arg7[%add3A_460, %dma_start3A_463] : memref<3276800x128xf32, #tpu.memory_space<hbm>> -> memref<128x128xf32, #tpu.memory_space<hbm>>
    tpu.enqueue_dma source(%arg17 : memref<128x128xf32, #tpu.memory_space<vmem>>) target(%dma_start3A_464 : memref<128x128xf32, #tpu.memory_space<hbm>>) target_semaphore(%arg25 : memref<!tpu.dma_semaphore, #tpu.memory_space<semaphore_mem>>)
    %dma_wait3A_465 = arith.constant 0 : i32
    %dma_wait3A_466 = tpu.memref_slice %arg2[%dma_wait3A_465] : memref<3276800xi32, #tpu.memory_space<hbm>> -> memref<128xi32, #tpu.memory_space<hbm>>
    %dma_wait3A_467 = arith.constant 0 : i32
    %dma_wait3A_468 = tpu.memref_slice %arg2[%dma_wait3A_467] : memref<3276800xi32, #tpu.memory_space<hbm>> -> memref<128xi32, #tpu.memory_space<hbm>>
    tpu.wait_dma2 semaphore(%arg21 : memref<!tpu.dma_semaphore, #tpu.memory_space<semaphore_mem>>) src(%dma_wait3A_468 : memref<128xi32, #tpu.memory_space<hbm>>) dst(%arg9 : memref<128xi32, #tpu.memory_space<vmem>>)
    %dma_wait3A_469 = arith.constant 0 : i32
    %dma_wait3A_470 = tpu.memref_slice %arg3[%dma_wait3A_469] : memref<3276800xi32, #tpu.memory_space<hbm>> -> memref<128xi32, #tpu.memory_space<hbm>>
    %dma_wait3A_471 = arith.constant 0 : i32
    %dma_wait3A_472 = tpu.memref_slice %arg3[%dma_wait3A_471] : memref<3276800xi32, #tpu.memory_space<hbm>> -> memref<128xi32, #tpu.memory_space<hbm>>
    tpu.wait_dma2 semaphore(%arg21 : memref<!tpu.dma_semaphore, #tpu.memory_space<semaphore_mem>>) src(%dma_wait3A_472 : memref<128xi32, #tpu.memory_space<hbm>>) dst(%arg11 : memref<128xi32, #tpu.memory_space<vmem>>)
    %dma_wait3A_473 = arith.constant 0 : i32
    %dma_wait3A_474 = tpu.memref_slice %arg4[%dma_wait3A_473] : memref<3276800xi32, #tpu.memory_space<hbm>> -> memref<128xi32, #tpu.memory_space<hbm>>
    %dma_wait3A_475 = arith.constant 0 : i32
    %dma_wait3A_476 = tpu.memref_slice %arg4[%dma_wait3A_475] : memref<3276800xi32, #tpu.memory_space<hbm>> -> memref<128xi32, #tpu.memory_space<hbm>>
    tpu.wait_dma2 semaphore(%arg21 : memref<!tpu.dma_semaphore, #tpu.memory_space<semaphore_mem>>) src(%dma_wait3A_476 : memref<128xi32, #tpu.memory_space<hbm>>) dst(%arg13 : memref<128xi32, #tpu.memory_space<vmem>>)
    %get3A_477 = arith.constant 0 : index
    %get3A_478 = tpu.vector_load %arg11[%get3A_477] {strides = array<i32>} : memref<128xi32, #tpu.memory_space<vmem>>, vector<16xi32>,
    %get3A_479 = vector.shape_cast %get3A_478 : vector<16xi32> to vector<16xi32>
    %mul3A_480 = arith.constant 32 : i32
    %mul3A_481 = vector.broadcast %mul3A_480 : i32 to vector<16xi32>
    %mul3A_482 = arith.muli %get3A_479, %mul3A_481 : vector<16xi32>
    %get3A_483 = arith.constant 0 : index
    %get3A_484 = tpu.vector_load %arg13[%get3A_483] {strides = array<i32>} : memref<128xi32, #tpu.memory_space<vmem>>, vector<16xi32>,
    %get3A_485 = vector.shape_cast %get3A_484 : vector<16xi32> to vector<16xi32>
    %add3A_486 = arith.addi %mul3A_482, %get3A_485 : vector<16xi32>
    %swap3A_487 = arith.constant 0 : index
    %swap3A_488 = tpu.vector_load %arg15[%swap3A_487] {strides = array<i32>} : memref<128xi32, #tpu.memory_space<vmem>>, vector<16xi32>,
    %swap3A_489 = vector.shape_cast %swap3A_488 : vector<16xi32> to vector<16xi32>
    %swap3A_490 = vector.shape_cast %add3A_486 : vector<16xi32> to vector<16xi32>
    tpu.vector_store %arg15[%swap3A_487], %swap3A_490 {strides = array<i32>} : memref<128xi32, #tpu.memory_space<vmem>>, vector<16xi32>,
    %get3A_491 = arith.constant 16 : index
    %get3A_492 = tpu.vector_load %arg11[%get3A_491] {strides = array<i32>} : memref<128xi32, #tpu.memory_space<vmem>>, vector<16xi32>,
    %get3A_493 = vector.shape_cast %get3A_492 : vector<16xi32> to vector<16xi32>
    %mul3A_494 = arith.constant 32 : i32
    %mul3A_495 = vector.broadcast %mul3A_494 : i32 to vector<16xi32>
    %mul3A_496 = arith.muli %get3A_493, %mul3A_495 : vector<16xi32>
    %get3A_497 = arith.constant 16 : index
    %get3A_498 = tpu.vector_load %arg13[%get3A_497] {strides = array<i32>} : memref<128xi32, #tpu.memory_space<vmem>>, vector<16xi32>,
    %get3A_499 = vector.shape_cast %get3A_498 : vector<16xi32> to vector<16xi32>
    %add3A_500 = arith.addi %mul3A_496, %get3A_499 : vector<16xi32>
    %swap3A_501 = arith.constant 16 : index
    %swap3A_502 = tpu.vector_load %arg15[%swap3A_501] {strides = array<i32>} : memref<128xi32, #tpu.memory_space<vmem>>, vector<16xi32>,
    %swap3A_503 = vector.shape_cast %swap3A_502 : vector<16xi32> to vector<16xi32>
    %swap3A_504 = vector.shape_cast %add3A_500 : vector<16xi32> to vector<16xi32>
    tpu.vector_store %arg15[%swap3A_501], %swap3A_504 {strides = array<i32>} : memref<128xi32, #tpu.memory_space<vmem>>, vector<16xi32>,
    %get3A_505 = arith.constant 32 : index
    %get3A_506 = tpu.vector_load %arg11[%get3A_505] {strides = array<i32>} : memref<128xi32, #tpu.memory_space<vmem>>, vector<16xi32>,
    %get3A_507 = vector.shape_cast %get3A_506 : vector<16xi32> to vector<16xi32>
    %mul3A_508 = arith.constant 32 : i32
    %mul3A_509 = vector.broadcast %mul3A_508 : i32 to vector<16xi32>
    %mul3A_510 = arith.muli %get3A_507, %mul3A_509 : vector<16xi32>
    %get3A_511 = arith.constant 32 : index
    %get3A_512 = tpu.vector_load %arg13[%get3A_511] {strides = array<i32>} : memref<128xi32, #tpu.memory_space<vmem>>, vector<16xi32>,
    %get3A_513 = vector.shape_cast %get3A_512 : vector<16xi32> to vector<16xi32>
    %add3A_514 = arith.addi %mul3A_510, %get3A_513 : vector<16xi32>
    %swap3A_515 = arith.constant 32 : index
    %swap3A_516 = tpu.vector_load %arg15[%swap3A_515] {strides = array<i32>} : memref<128xi32, #tpu.memory_space<vmem>>, vector<16xi32>,
    %swap3A_517 = vector.shape_cast %swap3A_516 : vector<16xi32> to vector<16xi32>
    %swap3A_518 = vector.shape_cast %add3A_514 : vector<16xi32> to vector<16xi32>
    tpu.vector_store %arg15[%swap3A_515], %swap3A_518 {strides = array<i32>} : memref<128xi32, #tpu.memory_space<vmem>>, vector<16xi32>,
    %get3A_519 = arith.constant 48 : index
    %get3A_520 = tpu.vector_load %arg11[%get3A_519] {strides = array<i32>} : memref<128xi32, #tpu.memory_space<vmem>>, vector<16xi32>,
    %get3A_521 = vector.shape_cast %get3A_520 : vector<16xi32> to vector<16xi32>
    %mul3A_522 = arith.constant 32 : i32
    %mul3A_523 = vector.broadcast %mul3A_522 : i32 to vector<16xi32>
    %mul3A_524 = arith.muli %get3A_521, %mul3A_523 : vector<16xi32>
    %get3A_525 = arith.constant 48 : index
    %get3A_526 = tpu.vector_load %arg13[%get3A_525] {strides = array<i32>} : memref<128xi32, #tpu.memory_space<vmem>>, vector<16xi32>,
    %get3A_527 = vector.shape_cast %get3A_526 : vector<16xi32> to vector<16xi32>
    %add3A_528 = arith.addi %mul3A_524, %get3A_527 : vector<16xi32>
    %swap3A_529 = arith.constant 48 : index
    %swap3A_530 = tpu.vector_load %arg15[%swap3A_529] {strides = array<i32>} : memref<128xi32, #tpu.memory_space<vmem>>, vector<16xi32>,
    %swap3A_531 = vector.shape_cast %swap3A_530 : vector<16xi32> to vector<16xi32>
    %swap3A_532 = vector.shape_cast %add3A_528 : vector<16xi32> to vector<16xi32>
    tpu.vector_store %arg15[%swap3A_529], %swap3A_532 {strides = array<i32>} : memref<128xi32, #tpu.memory_space<vmem>>, vector<16xi32>,
    %get3A_533 = arith.constant 64 : index
    %get3A_534 = tpu.vector_load %arg11[%get3A_533] {strides = array<i32>} : memref<128xi32, #tpu.memory_space<vmem>>, vector<16xi32>,
    %get3A_535 = vector.shape_cast %get3A_534 : vector<16xi32> to vector<16xi32>
    %mul3A_536 = arith.constant 32 : i32
    %mul3A_537 = vector.broadcast %mul3A_536 : i32 to vector<16xi32>
    %mul3A_538 = arith.muli %get3A_535, %mul3A_537 : vector<16xi32>
    %get3A_539 = arith.constant 64 : index
    %get3A_540 = tpu.vector_load %arg13[%get3A_539] {strides = array<i32>} : memref<128xi32, #tpu.memory_space<vmem>>, vector<16xi32>,
    %get3A_541 = vector.shape_cast %get3A_540 : vector<16xi32> to vector<16xi32>
    %add3A_542 = arith.addi %mul3A_538, %get3A_541 : vector<16xi32>
    %swap3A_543 = arith.constant 64 : index
    %swap3A_544 = tpu.vector_load %arg15[%swap3A_543] {strides = array<i32>} : memref<128xi32, #tpu.memory_space<vmem>>, vector<16xi32>,
    %swap3A_545 = vector.shape_cast %swap3A_544 : vector<16xi32> to vector<16xi32>
    %swap3A_546 = vector.shape_cast %add3A_542 : vector<16xi32> to vector<16xi32>
    tpu.vector_store %arg15[%swap3A_543], %swap3A_546 {strides = array<i32>} : memref<128xi32, #tpu.memory_space<vmem>>, vector<16xi32>,
    %get3A_547 = arith.constant 80 : index
    %get3A_548 = tpu.vector_load %arg11[%get3A_547] {strides = array<i32>} : memref<128xi32, #tpu.memory_space<vmem>>, vector<16xi32>,
    %get3A_549 = vector.shape_cast %get3A_548 : vector<16xi32> to vector<16xi32>
    %mul3A_550 = arith.constant 32 : i32
    %mul3A_551 = vector.broadcast %mul3A_550 : i32 to vector<16xi32>
    %mul3A_552 = arith.muli %get3A_549, %mul3A_551 : vector<16xi32>
    %get3A_553 = arith.constant 80 : index
    %get3A_554 = tpu.vector_load %arg13[%get3A_553] {strides = array<i32>} : memref<128xi32, #tpu.memory_space<vmem>>, vector<16xi32>,
    %get3A_555 = vector.shape_cast %get3A_554 : vector<16xi32> to vector<16xi32>
    %add3A_556 = arith.addi %mul3A_552, %get3A_555 : vector<16xi32>
    %swap3A_557 = arith.constant 80 : index
    %swap3A_558 = tpu.vector_load %arg15[%swap3A_557] {strides = array<i32>} : memref<128xi32, #tpu.memory_space<vmem>>, vector<16xi32>,
    %swap3A_559 = vector.shape_cast %swap3A_558 : vector<16xi32> to vector<16xi32>
    %swap3A_560 = vector.shape_cast %add3A_556 : vector<16xi32> to vector<16xi32>
    tpu.vector_store %arg15[%swap3A_557], %swap3A_560 {strides = array<i32>} : memref<128xi32, #tpu.memory_space<vmem>>, vector<16xi32>,
    %get3A_561 = arith.constant 96 : index
    %get3A_562 = tpu.vector_load %arg11[%get3A_561] {strides = array<i32>} : memref<128xi32, #tpu.memory_space<vmem>>, vector<16xi32>,
    %get3A_563 = vector.shape_cast %get3A_562 : vector<16xi32> to vector<16xi32>
    %mul3A_564 = arith.constant 32 : i32
    %mul3A_565 = vector.broadcast %mul3A_564 : i32 to vector<16xi32>
    %mul3A_566 = arith.muli %get3A_563, %mul3A_565 : vector<16xi32>
    %get3A_567 = arith.constant 96 : index
    %get3A_568 = tpu.vector_load %arg13[%get3A_567] {strides = array<i32>} : memref<128xi32, #tpu.memory_space<vmem>>, vector<16xi32>,
    %get3A_569 = vector.shape_cast %get3A_568 : vector<16xi32> to vector<16xi32>
    %add3A_570 = arith.addi %mul3A_566, %get3A_569 : vector<16xi32>
    %swap3A_571 = arith.constant 96 : index
    %swap3A_572 = tpu.vector_load %arg15[%swap3A_571] {strides = array<i32>} : memref<128xi32, #tpu.memory_space<vmem>>, vector<16xi32>,
    %swap3A_573 = vector.shape_cast %swap3A_572 : vector<16xi32> to vector<16xi32>
    %swap3A_574 = vector.shape_cast %add3A_570 : vector<16xi32> to vector<16xi32>
    tpu.vector_store %arg15[%swap3A_571], %swap3A_574 {strides = array<i32>} : memref<128xi32, #tpu.memory_space<vmem>>, vector<16xi32>,
    %get3A_575 = arith.constant 112 : index
    %get3A_576 = tpu.vector_load %arg11[%get3A_575] {strides = array<i32>} : memref<128xi32, #tpu.memory_space<vmem>>, vector<16xi32>,
    %get3A_577 = vector.shape_cast %get3A_576 : vector<16xi32> to vector<16xi32>
    %mul3A_578 = arith.constant 32 : i32
    %mul3A_579 = vector.broadcast %mul3A_578 : i32 to vector<16xi32>
    %mul3A_580 = arith.muli %get3A_577, %mul3A_579 : vector<16xi32>
    %get3A_581 = arith.constant 112 : index
    %get3A_582 = tpu.vector_load %arg13[%get3A_581] {strides = array<i32>} : memref<128xi32, #tpu.memory_space<vmem>>, vector<16xi32>,
    %get3A_583 = vector.shape_cast %get3A_582 : vector<16xi32> to vector<16xi32>
    %add3A_584 = arith.addi %mul3A_580, %get3A_583 : vector<16xi32>
    %swap3A_585 = arith.constant 112 : index
    %swap3A_586 = tpu.vector_load %arg15[%swap3A_585] {strides = array<i32>} : memref<128xi32, #tpu.memory_space<vmem>>, vector<16xi32>,
    %swap3A_587 = vector.shape_cast %swap3A_586 : vector<16xi32> to vector<16xi32>
    %swap3A_588 = vector.shape_cast %add3A_584 : vector<16xi32> to vector<16xi32>
    tpu.vector_store %arg15[%swap3A_585], %swap3A_588 {strides = array<i32>} : memref<128xi32, #tpu.memory_space<vmem>>, vector<16xi32>,
    %dma_wait3A_589 = arith.constant 0 : i32
    %dma_wait3A_590 = arith.constant 0 : i32
    %dma_wait3A_591 = tpu.memref_slice %arg7[%dma_wait3A_589, %dma_wait3A_590] : memref<3276800x128xf32, #tpu.memory_space<hbm>> -> memref<128x128xf32, #tpu.memory_space<hbm>>
    %dma_wait3A_592 = arith.constant 0 : i32
    %dma_wait3A_593 = arith.constant 0 : i32
    %dma_wait3A_594 = tpu.memref_slice %arg7[%dma_wait3A_592, %dma_wait3A_593] : memref<3276800x128xf32, #tpu.memory_space<hbm>> -> memref<128x128xf32, #tpu.memory_space<hbm>>
    tpu.wait_dma2 semaphore(%arg25 : memref<!tpu.dma_semaphore, #tpu.memory_space<semaphore_mem>>) src(%arg17 : memref<128x128xf32, #tpu.memory_space<vmem>>) dst(%dma_wait3A_594 : memref<128x128xf32, #tpu.memory_space<hbm>>)
    %dma_start3A_595 = arith.constant 0 : i32
    %dma_start3A_596 = arith.constant 0 : i32
    %dma_start3A_597 = tpu.memref_slice %arg5[%dma_start3A_595, %dma_start3A_596] : memref<100000x128xf32, #tpu.memory_space<hbm>> -> memref<100000x128xf32, #tpu.memory_space<hbm>>
    tpu.enqueue_indirect_dma source(%dma_start3A_597 : memref<100000x128xf32, #tpu.memory_space<hbm>>) target(%arg17 : memref<128x128xf32, #tpu.memory_space<vmem>>) offsets(%arg9 : memref<128xi32, #tpu.memory_space<vmem>>) semaphore(%arg23 : memref<!tpu.dma_semaphore, #tpu.memory_space<semaphore_mem>>)
    %dma_start3A_598 = arith.constant 0 : i32
    %dma_start3A_599 = arith.constant 0 : i32
    %dma_start3A_600 = tpu.memref_slice %arg6[%dma_start3A_598, %dma_start3A_599] : memref<416x128xf32, #tpu.memory_space<hbm>> -> memref<416x128xf32, #tpu.memory_space<hbm>>
    tpu.enqueue_indirect_dma source(%dma_start3A_600 : memref<416x128xf32, #tpu.memory_space<hbm>>) target(%arg19 : memref<128x128xf32, #tpu.memory_space<vmem>>) offsets(%arg15 : memref<128xi32, #tpu.memory_space<vmem>>) semaphore(%arg23 : memref<!tpu.dma_semaphore, #tpu.memory_space<semaphore_mem>>)
    %dma_wait3A_601 = arith.constant 0 : i32
    %dma_wait3A_602 = arith.constant 0 : i32
    %dma_wait3A_603 = tpu.memref_slice %arg5[%dma_wait3A_601, %dma_wait3A_602] : memref<100000x128xf32, #tpu.memory_space<hbm>> -> memref<100000x128xf32, #tpu.memory_space<hbm>>
    tpu.wait_indirect_dma semaphore(%arg22 : memref<!tpu.dma_semaphore, #tpu.memory_space<semaphore_mem>>) src(%dma_wait3A_603 : memref<100000x128xf32, #tpu.memory_space<hbm>>) dst(%arg16 : memref<128x128xf32, #tpu.memory_space<vmem>>)
    %dma_wait3A_604 = arith.constant 0 : i32
    %dma_wait3A_605 = arith.constant 0 : i32
    %dma_wait3A_606 = tpu.memref_slice %arg6[%dma_wait3A_604, %dma_wait3A_605] : memref<416x128xf32, #tpu.memory_space<hbm>> -> memref<416x128xf32, #tpu.memory_space<hbm>>
    tpu.wait_indirect_dma semaphore(%arg22 : memref<!tpu.dma_semaphore, #tpu.memory_space<semaphore_mem>>) src(%dma_wait3A_606 : memref<416x128xf32, #tpu.memory_space<hbm>>) dst(%arg18 : memref<128x128xf32, #tpu.memory_space<vmem>>)
    %scan3A_607 = arith.constant 0 : i32
    %scan3A_608 = arith.constant 128 : i32
    %scan3A_609 = arith.addi %scan3A_607, %scan3A_608 : i32
    %scan3A_610 = arith.constant 1 : i32
    scf.for %scan3A_647 = %scan3A_607 to %scan3A_609 step %scan3A_610  : i32 {
      %mul3A_648 = arith.constant 1 : i32
      %mul3A_649 = arith.muli %scan3A_647, %mul3A_648 : i32
      %add3A_650 = arith.constant 0 : i32
      %add3A_651 = arith.addi %add3A_650, %mul3A_649 : i32
      %get3A_652 = arith.index_cast %add3A_651 : i32 to index
      %get3A_653 = arith.constant 0 : index
      %get3A_654 = tpu.vector_load %arg18[%get3A_652, %get3A_653] {strides = array<i32>} : memref<128x128xf32, #tpu.memory_space<vmem>>, vector<1x16xf32>,
      %get3A_655 = vector.shape_cast %get3A_654 : vector<1x16xf32> to vector<16xf32>
      %swap3A_656 = arith.index_cast %add3A_651 : i32 to index
      %swap3A_657 = arith.constant 0 : index
      %swap3A_658 = tpu.vector_load %arg16[%swap3A_656, %swap3A_657] {strides = array<i32>} : memref<128x128xf32, #tpu.memory_space<vmem>>, vector<1x16xf32>,
      %swap3A_659 = vector.shape_cast %swap3A_658 : vector<1x16xf32> to vector<16xf32>
      %swap3A_660 = vector.shape_cast %get3A_655 : vector<16xf32> to vector<1x16xf32>
      tpu.vector_store %arg16[%swap3A_656, %swap3A_657], %swap3A_660 {add = true, strides = array<i32>} : memref<128x128xf32, #tpu.memory_space<vmem>>, vector<1x16xf32>,
      %get3A_661 = arith.index_cast %add3A_651 : i32 to index
      %get3A_662 = arith.constant 16 : index
      %get3A_663 = tpu.vector_load %arg18[%get3A_661, %get3A_662] {strides = array<i32>} : memref<128x128xf32, #tpu.memory_space<vmem>>, vector<1x16xf32>,
      %get3A_664 = vector.shape_cast %get3A_663 : vector<1x16xf32> to vector<16xf32>
      %swap3A_665 = arith.index_cast %add3A_651 : i32 to index
      %swap3A_666 = arith.constant 16 : index
      %swap3A_667 = tpu.vector_load %arg16[%swap3A_665, %swap3A_666] {strides = array<i32>} : memref<128x128xf32, #tpu.memory_space<vmem>>, vector<1x16xf32>,
      %swap3A_668 = vector.shape_cast %swap3A_667 : vector<1x16xf32> to vector<16xf32>
      %swap3A_669 = vector.shape_cast %get3A_664 : vector<16xf32> to vector<1x16xf32>
      tpu.vector_store %arg16[%swap3A_665, %swap3A_666], %swap3A_669 {add = true, strides = array<i32>} : memref<128x128xf32, #tpu.memory_space<vmem>>, vector<1x16xf32>,
      %get3A_670 = arith.index_cast %add3A_651 : i32 to index
      %get3A_671 = arith.constant 32 : index
      %get3A_672 = tpu.vector_load %arg18[%get3A_670, %get3A_671] {strides = array<i32>} : memref<128x128xf32, #tpu.memory_space<vmem>>, vector<1x16xf32>,
      %get3A_673 = vector.shape_cast %get3A_672 : vector<1x16xf32> to vector<16xf32>
      %swap3A_674 = arith.index_cast %add3A_651 : i32 to index
      %swap3A_675 = arith.constant 32 : index
      %swap3A_676 = tpu.vector_load %arg16[%swap3A_674, %swap3A_675] {strides = array<i32>} : memref<128x128xf32, #tpu.memory_space<vmem>>, vector<1x16xf32>,
      %swap3A_677 = vector.shape_cast %swap3A_676 : vector<1x16xf32> to vector<16xf32>
      %swap3A_678 = vector.shape_cast %get3A_673 : vector<16xf32> to vector<1x16xf32>
      tpu.vector_store %arg16[%swap3A_674, %swap3A_675], %swap3A_678 {add = true, strides = array<i32>} : memref<128x128xf32, #tpu.memory_space<vmem>>, vector<1x16xf32>,
      %get3A_679 = arith.index_cast %add3A_651 : i32 to index
      %get3A_680 = arith.constant 48 : index
      %get3A_681 = tpu.vector_load %arg18[%get3A_679, %get3A_680] {strides = array<i32>} : memref<128x128xf32, #tpu.memory_space<vmem>>, vector<1x16xf32>,
      %get3A_682 = vector.shape_cast %get3A_681 : vector<1x16xf32> to vector<16xf32>
      %swap3A_683 = arith.index_cast %add3A_651 : i32 to index
      %swap3A_684 = arith.constant 48 : index
      %swap3A_685 = tpu.vector_load %arg16[%swap3A_683, %swap3A_684] {strides = array<i32>} : memref<128x128xf32, #tpu.memory_space<vmem>>, vector<1x16xf32>,
      %swap3A_686 = vector.shape_cast %swap3A_685 : vector<1x16xf32> to vector<16xf32>
      %swap3A_687 = vector.shape_cast %get3A_682 : vector<16xf32> to vector<1x16xf32>
      tpu.vector_store %arg16[%swap3A_683, %swap3A_684], %swap3A_687 {add = true, strides = array<i32>} : memref<128x128xf32, #tpu.memory_space<vmem>>, vector<1x16xf32>,
      %get3A_688 = arith.index_cast %add3A_651 : i32 to index
      %get3A_689 = arith.constant 64 : index
      %get3A_690 = tpu.vector_load %arg18[%get3A_688, %get3A_689] {strides = array<i32>} : memref<128x128xf32, #tpu.memory_space<vmem>>, vector<1x16xf32>,
      %get3A_691 = vector.shape_cast %get3A_690 : vector<1x16xf32> to vector<16xf32>
      %swap3A_692 = arith.index_cast %add3A_651 : i32 to index
      %swap3A_693 = arith.constant 64 : index
      %swap3A_694 = tpu.vector_load %arg16[%swap3A_692, %swap3A_693] {strides = array<i32>} : memref<128x128xf32, #tpu.memory_space<vmem>>, vector<1x16xf32>,
      %swap3A_695 = vector.shape_cast %swap3A_694 : vector<1x16xf32> to vector<16xf32>
      %swap3A_696 = vector.shape_cast %get3A_691 : vector<16xf32> to vector<1x16xf32>
      tpu.vector_store %arg16[%swap3A_692, %swap3A_693], %swap3A_696 {add = true, strides = array<i32>} : memref<128x128xf32, #tpu.memory_space<vmem>>, vector<1x16xf32>,
      %get3A_697 = arith.index_cast %add3A_651 : i32 to index
      %get3A_698 = arith.constant 80 : index
      %get3A_699 = tpu.vector_load %arg18[%get3A_697, %get3A_698] {strides = array<i32>} : memref<128x128xf32, #tpu.memory_space<vmem>>, vector<1x16xf32>,
      %get3A_700 = vector.shape_cast %get3A_699 : vector<1x16xf32> to vector<16xf32>
      %swap3A_701 = arith.index_cast %add3A_651 : i32 to index
      %swap3A_702 = arith.constant 80 : index
      %swap3A_703 = tpu.vector_load %arg16[%swap3A_701, %swap3A_702] {strides = array<i32>} : memref<128x128xf32, #tpu.memory_space<vmem>>, vector<1x16xf32>,
      %swap3A_704 = vector.shape_cast %swap3A_703 : vector<1x16xf32> to vector<16xf32>
      %swap3A_705 = vector.shape_cast %get3A_700 : vector<16xf32> to vector<1x16xf32>
      tpu.vector_store %arg16[%swap3A_701, %swap3A_702], %swap3A_705 {add = true, strides = array<i32>} : memref<128x128xf32, #tpu.memory_space<vmem>>, vector<1x16xf32>,
      %get3A_706 = arith.index_cast %add3A_651 : i32 to index
      %get3A_707 = arith.constant 96 : index
      %get3A_708 = tpu.vector_load %arg18[%get3A_706, %get3A_707] {strides = array<i32>} : memref<128x128xf32, #tpu.memory_space<vmem>>, vector<1x16xf32>,
      %get3A_709 = vector.shape_cast %get3A_708 : vector<1x16xf32> to vector<16xf32>
      %swap3A_710 = arith.index_cast %add3A_651 : i32 to index
      %swap3A_711 = arith.constant 96 : index
      %swap3A_712 = tpu.vector_load %arg16[%swap3A_710, %swap3A_711] {strides = array<i32>} : memref<128x128xf32, #tpu.memory_space<vmem>>, vector<1x16xf32>,
      %swap3A_713 = vector.shape_cast %swap3A_712 : vector<1x16xf32> to vector<16xf32>
      %swap3A_714 = vector.shape_cast %get3A_709 : vector<16xf32> to vector<1x16xf32>
      tpu.vector_store %arg16[%swap3A_710, %swap3A_711], %swap3A_714 {add = true, strides = array<i32>} : memref<128x128xf32, #tpu.memory_space<vmem>>, vector<1x16xf32>,
      %get3A_715 = arith.index_cast %add3A_651 : i32 to index
      %get3A_716 = arith.constant 112 : index
      %get3A_717 = tpu.vector_load %arg18[%get3A_715, %get3A_716] {strides = array<i32>} : memref<128x128xf32, #tpu.memory_space<vmem>>, vector<1x16xf32>,
      %get3A_718 = vector.shape_cast %get3A_717 : vector<1x16xf32> to vector<16xf32>
      %swap3A_719 = arith.index_cast %add3A_651 : i32 to index
      %swap3A_720 = arith.constant 112 : index
      %swap3A_721 = tpu.vector_load %arg16[%swap3A_719, %swap3A_720] {strides = array<i32>} : memref<128x128xf32, #tpu.memory_space<vmem>>, vector<1x16xf32>,
      %swap3A_722 = vector.shape_cast %swap3A_721 : vector<1x16xf32> to vector<16xf32>
      %swap3A_723 = vector.shape_cast %get3A_718 : vector<16xf32> to vector<1x16xf32>
      tpu.vector_store %arg16[%swap3A_719, %swap3A_720], %swap3A_723 {add = true, strides = array<i32>} : memref<128x128xf32, #tpu.memory_space<vmem>>, vector<1x16xf32>,
    }
    %scan3A_611 = arith.constant 128 : i32
    %add3A_612 = arith.constant 102144 : i32
    %add3A_613 = arith.addi %mul3A_2, %add3A_612 : i32
    %dma_start3A_614 = arith.constant 0 : i32
    %dma_start3A_615 = tpu.memref_slice %arg7[%add3A_613, %dma_start3A_614] : memref<3276800x128xf32, #tpu.memory_space<hbm>> -> memref<128x128xf32, #tpu.memory_space<hbm>>
    %dma_start3A_616 = arith.constant 0 : i32
    %dma_start3A_617 = tpu.memref_slice %arg7[%add3A_613, %dma_start3A_616] : memref<3276800x128xf32, #tpu.memory_space<hbm>> -> memref<128x128xf32, #tpu.memory_space<hbm>>
    tpu.enqueue_dma source(%arg16 : memref<128x128xf32, #tpu.memory_space<vmem>>) target(%dma_start3A_617 : memref<128x128xf32, #tpu.memory_space<hbm>>) target_semaphore(%arg24 : memref<!tpu.dma_semaphore, #tpu.memory_space<semaphore_mem>>)
    %dma_wait3A_618 = arith.constant 0 : i32
    %dma_wait3A_619 = arith.constant 0 : i32
    %dma_wait3A_620 = tpu.memref_slice %arg5[%dma_wait3A_618, %dma_wait3A_619] : memref<100000x128xf32, #tpu.memory_space<hbm>> -> memref<100000x128xf32, #tpu.memory_space<hbm>>
    tpu.wait_indirect_dma semaphore(%arg23 : memref<!tpu.dma_semaphore, #tpu.memory_space<semaphore_mem>>) src(%dma_wait3A_620 : memref<100000x128xf32, #tpu.memory_space<hbm>>) dst(%arg17 : memref<128x128xf32, #tpu.memory_space<vmem>>)
    %dma_wait3A_621 = arith.constant 0 : i32
    %dma_wait3A_622 = arith.constant 0 : i32
    %dma_wait3A_623 = tpu.memref_slice %arg6[%dma_wait3A_621, %dma_wait3A_622] : memref<416x128xf32, #tpu.memory_space<hbm>> -> memref<416x128xf32, #tpu.memory_space<hbm>>
    tpu.wait_indirect_dma semaphore(%arg23 : memref<!tpu.dma_semaphore, #tpu.memory_space<semaphore_mem>>) src(%dma_wait3A_623 : memref<416x128xf32, #tpu.memory_space<hbm>>) dst(%arg19 : memref<128x128xf32, #tpu.memory_space<vmem>>)
    %scan3A_624 = arith.constant 0 : i32
    %scan3A_625 = arith.constant 128 : i32
    %scan3A_626 = arith.addi %scan3A_624, %scan3A_625 : i32
    %scan3A_627 = arith.constant 1 : i32
    scf.for %scan3A_647 = %scan3A_624 to %scan3A_626 step %scan3A_627  : i32 {
      %mul3A_648 = arith.constant 1 : i32
      %mul3A_649 = arith.muli %scan3A_647, %mul3A_648 : i32
      %add3A_650 = arith.constant 0 : i32
      %add3A_651 = arith.addi %add3A_650, %mul3A_649 : i32
      %get3A_652 = arith.index_cast %add3A_651 : i32 to index
      %get3A_653 = arith.constant 0 : index
      %get3A_654 = tpu.vector_load %arg19[%get3A_652, %get3A_653] {strides = array<i32>} : memref<128x128xf32, #tpu.memory_space<vmem>>, vector<1x16xf32>,
      %get3A_655 = vector.shape_cast %get3A_654 : vector<1x16xf32> to vector<16xf32>
      %swap3A_656 = arith.index_cast %add3A_651 : i32 to index
      %swap3A_657 = arith.constant 0 : index
      %swap3A_658 = tpu.vector_load %arg17[%swap3A_656, %swap3A_657] {strides = array<i32>} : memref<128x128xf32, #tpu.memory_space<vmem>>, vector<1x16xf32>,
      %swap3A_659 = vector.shape_cast %swap3A_658 : vector<1x16xf32> to vector<16xf32>
      %swap3A_660 = vector.shape_cast %get3A_655 : vector<16xf32> to vector<1x16xf32>
      tpu.vector_store %arg17[%swap3A_656, %swap3A_657], %swap3A_660 {add = true, strides = array<i32>} : memref<128x128xf32, #tpu.memory_space<vmem>>, vector<1x16xf32>,
      %get3A_661 = arith.index_cast %add3A_651 : i32 to index
      %get3A_662 = arith.constant 16 : index
      %get3A_663 = tpu.vector_load %arg19[%get3A_661, %get3A_662] {strides = array<i32>} : memref<128x128xf32, #tpu.memory_space<vmem>>, vector<1x16xf32>,
      %get3A_664 = vector.shape_cast %get3A_663 : vector<1x16xf32> to vector<16xf32>
      %swap3A_665 = arith.index_cast %add3A_651 : i32 to index
      %swap3A_666 = arith.constant 16 : index
      %swap3A_667 = tpu.vector_load %arg17[%swap3A_665, %swap3A_666] {strides = array<i32>} : memref<128x128xf32, #tpu.memory_space<vmem>>, vector<1x16xf32>,
      %swap3A_668 = vector.shape_cast %swap3A_667 : vector<1x16xf32> to vector<16xf32>
      %swap3A_669 = vector.shape_cast %get3A_664 : vector<16xf32> to vector<1x16xf32>
      tpu.vector_store %arg17[%swap3A_665, %swap3A_666], %swap3A_669 {add = true, strides = array<i32>} : memref<128x128xf32, #tpu.memory_space<vmem>>, vector<1x16xf32>,
      %get3A_670 = arith.index_cast %add3A_651 : i32 to index
      %get3A_671 = arith.constant 32 : index
      %get3A_672 = tpu.vector_load %arg19[%get3A_670, %get3A_671] {strides = array<i32>} : memref<128x128xf32, #tpu.memory_space<vmem>>, vector<1x16xf32>,
      %get3A_673 = vector.shape_cast %get3A_672 : vector<1x16xf32> to vector<16xf32>
      %swap3A_674 = arith.index_cast %add3A_651 : i32 to index
      %swap3A_675 = arith.constant 32 : index
      %swap3A_676 = tpu.vector_load %arg17[%swap3A_674, %swap3A_675] {strides = array<i32>} : memref<128x128xf32, #tpu.memory_space<vmem>>, vector<1x16xf32>,
      %swap3A_677 = vector.shape_cast %swap3A_676 : vector<1x16xf32> to vector<16xf32>
      %swap3A_678 = vector.shape_cast %get3A_673 : vector<16xf32> to vector<1x16xf32>
      tpu.vector_store %arg17[%swap3A_674, %swap3A_675], %swap3A_678 {add = true, strides = array<i32>} : memref<128x128xf32, #tpu.memory_space<vmem>>, vector<1x16xf32>,
      %get3A_679 = arith.index_cast %add3A_651 : i32 to index
      %get3A_680 = arith.constant 48 : index
      %get3A_681 = tpu.vector_load %arg19[%get3A_679, %get3A_680] {strides = array<i32>} : memref<128x128xf32, #tpu.memory_space<vmem>>, vector<1x16xf32>,
      %get3A_682 = vector.shape_cast %get3A_681 : vector<1x16xf32> to vector<16xf32>
      %swap3A_683 = arith.index_cast %add3A_651 : i32 to index
      %swap3A_684 = arith.constant 48 : index
      %swap3A_685 = tpu.vector_load %arg17[%swap3A_683, %swap3A_684] {strides = array<i32>} : memref<128x128xf32, #tpu.memory_space<vmem>>, vector<1x16xf32>,
      %swap3A_686 = vector.shape_cast %swap3A_685 : vector<1x16xf32> to vector<16xf32>
      %swap3A_687 = vector.shape_cast %get3A_682 : vector<16xf32> to vector<1x16xf32>
      tpu.vector_store %arg17[%swap3A_683, %swap3A_684], %swap3A_687 {add = true, strides = array<i32>} : memref<128x128xf32, #tpu.memory_space<vmem>>, vector<1x16xf32>,
      %get3A_688 = arith.index_cast %add3A_651 : i32 to index
      %get3A_689 = arith.constant 64 : index
      %get3A_690 = tpu.vector_load %arg19[%get3A_688, %get3A_689] {strides = array<i32>} : memref<128x128xf32, #tpu.memory_space<vmem>>, vector<1x16xf32>,
      %get3A_691 = vector.shape_cast %get3A_690 : vector<1x16xf32> to vector<16xf32>
      %swap3A_692 = arith.index_cast %add3A_651 : i32 to index
      %swap3A_693 = arith.constant 64 : index
      %swap3A_694 = tpu.vector_load %arg17[%swap3A_692, %swap3A_693] {strides = array<i32>} : memref<128x128xf32, #tpu.memory_space<vmem>>, vector<1x16xf32>,
      %swap3A_695 = vector.shape_cast %swap3A_694 : vector<1x16xf32> to vector<16xf32>
      %swap3A_696 = vector.shape_cast %get3A_691 : vector<16xf32> to vector<1x16xf32>
      tpu.vector_store %arg17[%swap3A_692, %swap3A_693], %swap3A_696 {add = true, strides = array<i32>} : memref<128x128xf32, #tpu.memory_space<vmem>>, vector<1x16xf32>,
      %get3A_697 = arith.index_cast %add3A_651 : i32 to index
      %get3A_698 = arith.constant 80 : index
      %get3A_699 = tpu.vector_load %arg19[%get3A_697, %get3A_698] {strides = array<i32>} : memref<128x128xf32, #tpu.memory_space<vmem>>, vector<1x16xf32>,
      %get3A_700 = vector.shape_cast %get3A_699 : vector<1x16xf32> to vector<16xf32>
      %swap3A_701 = arith.index_cast %add3A_651 : i32 to index
      %swap3A_702 = arith.constant 80 : index
      %swap3A_703 = tpu.vector_load %arg17[%swap3A_701, %swap3A_702] {strides = array<i32>} : memref<128x128xf32, #tpu.memory_space<vmem>>, vector<1x16xf32>,
      %swap3A_704 = vector.shape_cast %swap3A_703 : vector<1x16xf32> to vector<16xf32>
      %swap3A_705 = vector.shape_cast %get3A_700 : vector<16xf32> to vector<1x16xf32>
      tpu.vector_store %arg17[%swap3A_701, %swap3A_702], %swap3A_705 {add = true, strides = array<i32>} : memref<128x128xf32, #tpu.memory_space<vmem>>, vector<1x16xf32>,
      %get3A_706 = arith.index_cast %add3A_651 : i32 to index
      %get3A_707 = arith.constant 96 : index
      %get3A_708 = tpu.vector_load %arg19[%get3A_706, %get3A_707] {strides = array<i32>} : memref<128x128xf32, #tpu.memory_space<vmem>>, vector<1x16xf32>,
      %get3A_709 = vector.shape_cast %get3A_708 : vector<1x16xf32> to vector<16xf32>
      %swap3A_710 = arith.index_cast %add3A_651 : i32 to index
      %swap3A_711 = arith.constant 96 : index
      %swap3A_712 = tpu.vector_load %arg17[%swap3A_710, %swap3A_711] {strides = array<i32>} : memref<128x128xf32, #tpu.memory_space<vmem>>, vector<1x16xf32>,
      %swap3A_713 = vector.shape_cast %swap3A_712 : vector<1x16xf32> to vector<16xf32>
      %swap3A_714 = vector.shape_cast %get3A_709 : vector<16xf32> to vector<1x16xf32>
      tpu.vector_store %arg17[%swap3A_710, %swap3A_711], %swap3A_714 {add = true, strides = array<i32>} : memref<128x128xf32, #tpu.memory_space<vmem>>, vector<1x16xf32>,
      %get3A_715 = arith.index_cast %add3A_651 : i32 to index
      %get3A_716 = arith.constant 112 : index
      %get3A_717 = tpu.vector_load %arg19[%get3A_715, %get3A_716] {strides = array<i32>} : memref<128x128xf32, #tpu.memory_space<vmem>>, vector<1x16xf32>,
      %get3A_718 = vector.shape_cast %get3A_717 : vector<1x16xf32> to vector<16xf32>
      %swap3A_719 = arith.index_cast %add3A_651 : i32 to index
      %swap3A_720 = arith.constant 112 : index
      %swap3A_721 = tpu.vector_load %arg17[%swap3A_719, %swap3A_720] {strides = array<i32>} : memref<128x128xf32, #tpu.memory_space<vmem>>, vector<1x16xf32>,
      %swap3A_722 = vector.shape_cast %swap3A_721 : vector<1x16xf32> to vector<16xf32>
      %swap3A_723 = vector.shape_cast %get3A_718 : vector<16xf32> to vector<1x16xf32>
      tpu.vector_store %arg17[%swap3A_719, %swap3A_720], %swap3A_723 {add = true, strides = array<i32>} : memref<128x128xf32, #tpu.memory_space<vmem>>, vector<1x16xf32>,
    }
    %scan3A_628 = arith.constant 128 : i32
    %add3A_629 = arith.constant 102272 : i32
    %add3A_630 = arith.addi %mul3A_2, %add3A_629 : i32
    %dma_start3A_631 = arith.constant 0 : i32
    %dma_start3A_632 = tpu.memref_slice %arg7[%add3A_630, %dma_start3A_631] : memref<3276800x128xf32, #tpu.memory_space<hbm>> -> memref<128x128xf32, #tpu.memory_space<hbm>>
    %dma_start3A_633 = arith.constant 0 : i32
    %dma_start3A_634 = tpu.memref_slice %arg7[%add3A_630, %dma_start3A_633] : memref<3276800x128xf32, #tpu.memory_space<hbm>> -> memref<128x128xf32, #tpu.memory_space<hbm>>
    tpu.enqueue_dma source(%arg17 : memref<128x128xf32, #tpu.memory_space<vmem>>) target(%dma_start3A_634 : memref<128x128xf32, #tpu.memory_space<hbm>>) target_semaphore(%arg25 : memref<!tpu.dma_semaphore, #tpu.memory_space<semaphore_mem>>)
    %dma_wait3A_635 = arith.constant 0 : i32
    %dma_wait3A_636 = arith.constant 0 : i32
    %dma_wait3A_637 = tpu.memref_slice %arg7[%dma_wait3A_635, %dma_wait3A_636] : memref<3276800x128xf32, #tpu.memory_space<hbm>> -> memref<128x128xf32, #tpu.memory_space<hbm>>
    %dma_wait3A_638 = arith.constant 0 : i32
    %dma_wait3A_639 = arith.constant 0 : i32
    %dma_wait3A_640 = tpu.memref_slice %arg7[%dma_wait3A_638, %dma_wait3A_639] : memref<3276800x128xf32, #tpu.memory_space<hbm>> -> memref<128x128xf32, #tpu.memory_space<hbm>>
    tpu.wait_dma2 semaphore(%arg24 : memref<!tpu.dma_semaphore, #tpu.memory_space<semaphore_mem>>) src(%arg16 : memref<128x128xf32, #tpu.memory_space<vmem>>) dst(%dma_wait3A_640 : memref<128x128xf32, #tpu.memory_space<hbm>>)
    %dma_wait3A_641 = arith.constant 0 : i32
    %dma_wait3A_642 = arith.constant 0 : i32
    %dma_wait3A_643 = tpu.memref_slice %arg7[%dma_wait3A_641, %dma_wait3A_642] : memref<3276800x128xf32, #tpu.memory_space<hbm>> -> memref<128x128xf32, #tpu.memory_space<hbm>>
    %dma_wait3A_644 = arith.constant 0 : i32
    %dma_wait3A_645 = arith.constant 0 : i32
    %dma_wait3A_646 = tpu.memref_slice %arg7[%dma_wait3A_644, %dma_wait3A_645] : memref<3276800x128xf32, #tpu.memory_space<hbm>> -> memref<128x128xf32, #tpu.memory_space<hbm>>
    tpu.wait_dma2 semaphore(%arg25 : memref<!tpu.dma_semaphore, #tpu.memory_space<semaphore_mem>>) src(%arg17 : memref<128x128xf32, #tpu.memory_space<vmem>>) dst(%dma_wait3A_646 : memref<128x128xf32, #tpu.memory_space<hbm>>)
    return
  }
}

module attributes {stable_mosaic.version = 14 : i64} {
  func.func @_comb_body(%arg0: memref<13x128xf32, #tpu.memory_space<vmem>>, %arg1: memref<32x128xf32, #tpu.memory_space<vmem>>, %arg2: memref<416x128xf32, #tpu.memory_space<vmem>>) attributes {dimension_semantics = [], scalar_prefetch = 0 : i64, scratch_operands = 0 : i64, tpu.core_type = #tpu.core_type<tc>} {
    %get3A = arith.constant 0 : index
    %get3A_0 = arith.constant 0 : index
    %get3A_1 = vector.load %arg0[%get3A, %get3A_0] : memref<13x128xf32, #tpu.memory_space<vmem>>, vector<13x128xf32>
    %get3A_2 = arith.constant 0 : index
    %get3A_3 = arith.constant 0 : index
    %get3A_4 = vector.load %arg1[%get3A_2, %get3A_3] : memref<32x128xf32, #tpu.memory_space<vmem>>, vector<32x128xf32>
    %broadcast_in_dim3A = vector.shape_cast %get3A_1 : vector<13x128xf32> to vector<13x1x128xf32>
    %broadcast_in_dim3A_5 = vector.shape_cast %get3A_4 : vector<32x128xf32> to vector<1x32x128xf32>
    %add3A = vector.broadcast %broadcast_in_dim3A : vector<13x1x128xf32> to vector<13x32x128xf32>
    %add3A_6 = vector.broadcast %broadcast_in_dim3A_5 : vector<1x32x128xf32> to vector<13x32x128xf32>
    %add3A_7 = arith.addf %add3A, %add3A_6 : vector<13x32x128xf32>
    %reshape3A = vector.shape_cast %add3A_7 : vector<13x32x128xf32> to vector<416x128xf32>
    %swap3A = arith.constant 0 : index
    %swap3A_8 = arith.constant 0 : index
    %swap3A_9 = vector.load %arg2[%swap3A, %swap3A_8] : memref<416x128xf32, #tpu.memory_space<vmem>>, vector<416x128xf32>
    tpu.vector_store %arg2[%swap3A, %swap3A_8], %reshape3A {strides = array<i32>} : memref<416x128xf32, #tpu.memory_space<vmem>>, vector<416x128xf32>,
    return
  }
}

</mosaic_0001>

<sc_bundles>
// kernel: kernel.4.cloned.1.call-start
scs
__scs_entry_jumppad:
0x0: {  	(pc) =	sbr.rel $0x88, $3  }
0x1: {  	(tag) =	ssettag $0x0;
	lr =	simm.s32 $0x1  }
0x2: {  	[smem:$0x3F9B] =	sst lr;
	_ =	strace $0xD0000000  }
0x3: {  	_ = 	snop  }
0x4: {  	_ = 	snop  }
0x5: {  	_ = 	snop  }
0x6: {  	_ = 	snop  }
0x7: {  	_ = 	snop  }
__scs_overlays_trampoline_lowered:
0x8: {  	[smem:$0x3FAA] =	sst s0  }
0x9: {  	[smem:$0x3FAB] =	sst s1  }
0xa: {  	[smem:$0x3FAC] =	sst s2  }
0xb: {  	[smem:$0x3FAD] =	sst s3  }
0xc: {  	[smem:$0x3FAE] =	sst s4  }
0xd: {  	[smem:$0x3FAF] =	sst s5  }
0xe: {  	[smem:$0x3FB0] =	sst s6  }
0xf: {  	[smem:$0x3FB1] =	sst s7  }
0x10: {  	[smem:$0x3FB2] =	sst s8  }
0x11: {  	[smem:$0x3FB3] =	sst s9;
	s0 =	simm.s32 @!p0 $0x0  }
0x12: {  	s1 =	sld [smem:$0x3F99];
	s0 =	simm.s32 @p0 $0x1  }
0x13: {  	[smem:$0x3FB4] =	sst s0;
	s0 =	simm.s32 @!p1 $0x0  }
0x14: {  	s2 =	sld [smem:$0x3F98];
	s0 =	simm.s32 @p1 $0x1  }
0x15: {  	[smem:$0x3FB5] =	sst s0;
	s0 =	simm.s32 @!p2 $0x0  }
0x16: {  	s3 =	sld [smem:$0x3FDB];
	s0 =	simm.s32 @p2 $0x1  }
0x17: {  	s4 =	simm.s32 $0x1BF5;
	[smem:$0x3FB7] =	sst s0  }
0x18: {  	s0 =	sld [smem:$0x3F9A];
	_ =	swait.ge [sflag:s4], $0x0  }
0x19: {  	s7 =	sld [smem:$0x3F9B]  }
0x1a: {  	s8 =	sadd.s32 $0xFFFFE003, lr  }
0x1b: {  	s9 =	sadd.s32 $0xFFFFFEF7, lr;
	s5 =	simm.s32 $0xFFFFFFFF;
	p2 =	slt.u32 s8, $0xFFFFF086  }
0x1c: {  	p1 =	slt.u32 s9, $0xF7A;
	s5 =	simm.s32 @!p2 $0x0  }
0x1d: {  	s5 =	simm.s32 @p1 $0x1;
	p0 =	seq.s32 s7, s2  }
0x1e: {  	s7 =	smul.u32 @!p0 $0xF7A, s2;
	p2 =	seq.s32 @!p0 s5, $0x0  }
0x1f: {  	s9 =	smul.u32 $0xF7A, s1;
	s8 =	simm.s32 @!p0 $0x1BF5;
	p2 =	por !p2, p0  }
0x20: {  	[sflag:s8] =	ssyncset.s32 @!p0 $0xFFFFF086;
	s6 =	sadd.s32 @!p0 s3, s7;
	s7 =	simm.s32 @!p0 $0x108  }
0x21: {  	s3 =	sadd.s32 s3, s9;
	s6 =	sadd.s32 @!p0 $0x88, s6;
	s7 =	simm.s32 @p2 $0x1082  }
0x22: {  	[simem:s7], [sflag:s8] =	dma.local @!p0 [hbm:s6], $0xF7A  }
0x23: {  	s9 =	sor.u32 $0xD0000000, s2;
	s6 =	simm.s32 $0x108;
	_ =	swait.ge @!p0 [sflag:s8], $0x0  }
0x24: {  	s3 =	sadd.s32 $0x88, s3;
	s6 =	simm.s32 @!p1 $0x1082;
	[sflag:s4] =	ssyncset.s32 $0xFFFFF086  }
0x25: {  	[simem:s6], [sflag:s4] =	dma.local [hbm:s3], $0xF7A  }
0x26: {  	[smem:$0x3F9B] =	sst s1;
	(tag) =	ssettag s2;
	_ =	strace s9  }
0x27: {  	s1 =	sld [smem:$0x3FAB]  }
0x28: {  	s2 =	sld [smem:$0x3FAC]  }
0x29: {  	s4 =	sld [smem:$0x3FAE]  }
0x2a: {  	p0 =	seq.s32 s5, $0x0;
	s5 =	sld [smem:$0x3FAF]  }
0x2b: {  	s6 =	sld [smem:$0x3FB0]  }
0x2c: {  	s7 =	sld [smem:$0x3FB1]  }
0x2d: {  	s3 =	simm.s32 $0x108;
	s8 =	sld [smem:$0x3FB2]  }
0x2e: {  	s3 =	simm.s32 @!p0 $0x1082;
	s9 =	sld [smem:$0x3FB3]  }
0x2f: {  	lr =	sadd.s32 s0, s3;
	s0 =	sld [smem:$0x3FAA]  }
0x30: {  	s3 =	sld [smem:$0x3FAD]  }
0x31: {  	[smem:$0x3FB6] =	sst s10  }
0x32: {  	s10 =	sld [smem:$0x3FB4];
	_ =	sdelay $0x3  }
0x33: {  	p0 =	seq.s32 s10, $0x1;
	s10 =	sld [smem:$0x3FB6];
	_ =	sdelay $0x3  }
0x34: {  	[smem:$0x3FB6] =	sst s10  }
0x35: {  	s10 =	sld [smem:$0x3FB5];
	_ =	sdelay $0x3  }
0x36: {  	p1 =	seq.s32 s10, $0x1;
	s10 =	sld [smem:$0x3FB6];
	_ =	sdelay $0x3  }
0x37: {  	[smem:$0x3FB6] =	sst s10  }
0x38: {  	s10 =	sld [smem:$0x3FB7]  }
0x39: {  	_ = 	snop;
	(pc) =	sbr.ind lr, $3  }
0x3a: {  	_ = 	snop  }
0x3b: {  	_ = 	snop  }
0x3c: {  	p2 =	seq.s32 s10, $0x1;
	s10 =	sld [smem:$0x3FB6]  }
0x3d: {  	_ =	shalt  }
0x3e: {  	_ =	shalt  }
0x3f: {  	_ =	shalt  }
0x40: {  	_ =	shalt  }
0x41: {  	_ =	shalt  }
0x42: {  	_ =	shalt  }
0x43: {  	_ =	shalt  }
0x44: {  	_ =	shalt  }
0x45: {  	_ =	shalt  }
0x46: {  	_ =	shalt  }
0x47: {  	_ =	shalt  }
0x48: {  	_ =	shalt  }
0x49: {  	_ =	shalt  }
0x4a: {  	_ =	shalt  }
0x4b: {  	_ =	shalt  }
0x4c: {  	_ =	shalt  }
0x4d: {  	_ =	shalt  }
0x4e: {  	_ =	shalt  }
0x4f: {  	_ =	shalt  }
0x50: {  	_ =	shalt  }
0x51: {  	_ =	shalt  }
0x52: {  	_ =	shalt  }
0x53: {  	_ =	shalt  }
0x54: {  	_ =	shalt  }
0x55: {  	_ =	shalt  }
0x56: {  	_ =	shalt  }
0x57: {  	_ =	shalt  }
0x58: {  	_ =	shalt  }
0x59: {  	_ =	shalt  }
0x5a: {  	_ =	shalt  }
0x5b: {  	_ =	shalt  }
0x5c: {  	_ =	shalt  }
0x5d: {  	_ =	shalt  }
0x5e: {  	_ =	shalt  }
0x5f: {  	_ =	shalt  }
0x60: {  	_ =	shalt  }
0x61: {  	_ =	shalt  }
0x62: {  	_ =	shalt  }
0x63: {  	_ =	shalt  }
0x64: {  	_ =	shalt  }
0x65: {  	_ =	shalt  }
0x66: {  	_ =	shalt  }
0x67: {  	_ =	shalt  }
0x68: {  	_ =	shalt  }
0x69: {  	_ =	shalt  }
0x6a: {  	_ =	shalt  }
0x6b: {  	_ =	shalt  }
0x6c: {  	_ =	shalt  }
0x6d: {  	_ =	shalt  }
0x6e: {  	_ =	shalt  }
0x6f: {  	_ =	shalt  }
0x70: {  	_ =	shalt  }
0x71: {  	_ =	shalt  }
0x72: {  	_ =	shalt  }
0x73: {  	_ =	shalt  }
0x74: {  	_ =	shalt  }
0x75: {  	_ =	shalt  }
0x76: {  	_ =	shalt  }
0x77: {  	_ =	shalt  }
0x78: {  	_ =	shalt  }
0x79: {  	_ =	shalt  }
0x7a: {  	_ =	shalt  }
0x7b: {  	_ =	shalt  }
0x7c: {  	_ =	shalt  }
0x7d: {  	_ =	shalt  }
0x7e: {  	_ =	shalt  }
0x7f: {  	_ =	shalt  }
0x80: {  	_ =	shalt  }
0x81: {  	_ =	shalt  }
0x82: {  	_ =	shalt  }
0x83: {  	_ =	shalt  }
0x84: {  	_ =	shalt  }
0x85: {  	_ =	shalt  }
0x86: {  	_ =	shalt  }
0x87: {  	_ =	shalt  }
.Lfunc_end0:
.L_simem_size_0:
called_computation_lowered:
.L_overlay_start_0:
0x88: {  	s2 =	sld [smem:$0x3FD9]  }
0x89: {  	s3 =	sld [smem:$0x3FFE];
	_ =	sdelay $0x1  }
0x8a: {  	s1 =	srdreg.scid  }
0x8b: {  	s0 =	sand.u32 $0x1, s1  }
0x8c: {  	s17 =	sshll.u32 s0, $0xA;
	s2 =	sadd.s32 s3, s2  }
0x8d: {  	s2 =	sadd.s32 s2, s17  }
0x8e: {  	[smem:$0x3FC2] =	sst s2  }
0x8f: {  	_ = 	snop  }
0x90: {  	s2 =	sld [smem:$0x3FC6]  }
0x91: {  	s18 =	sld [smem:$0x3FD0];
	(tm) =	ssettm $0x1  }
0x92: {  	s4 =	sld [smem:$0x3FFB];
	_ =	sdelay $0x3  }
0x93: {  	_ =	strace s4  }
0x94: {  	s4 =	sld [smem:$0x3FFC];
	_ =	sdelay $0x3  }
0x95: {  	_ =	strace s4  }
0x96: {  	s4 =	sld [smem:$0x3FFD];
	_ =	sdelay $0x3  }
0x97: {  	_ =	strace s4  }
0x98: {  	_ =	strace $0x8FFFFFFF  }
0x99: {  	s19 =	sld [smem:$0x3FDB];
	_ =	sdelay $0x1  }
0x9a: {  	s5 =	simm.s32 $_scs_section_size  }
0x9b: {  	s6 =	simm.s32 $_size__tile_overlayer_lowered;
	s7 =	simm.s32 $_tile_overlayer_lowered  }
0x9c: {  	s22 =	simm.s32 $0x1BFF;
	s21 =	sshll.u32 s7, $0x1;
	s4 =	sadd.s32 s5, s19  }
0x9d: {  	s8 =	simm.s32 $0x0;
	s20 =	sshll.u32 s6, $0x1;
	s6 =	sadd.s32 s21, s4  }
0x9e: {  	[timem:s8], [sflag:s22] =	dma.local [hbm:s6], s20  }
0x9f: {  	_ =	swait.ge [sflag:s22], s20  }
0xa0: {  	s5 =	ssub.s32 $0x0, s20;
	[sflag:s22] =	ssyncset.done $0x0  }
0xa1: {  	[sflag:s22] =	ssyncadd.s32 s5;
	_ =	sdelay $0x1  }
0xa2: {  	s23 =	simm.s32 $0x1B8B  }
0xa3: {  	_ =	swait.ge [sflag:s23], $0x1  }
0xa4: {  	[sflag:s23] =	ssyncset.done $0x0  }
0xa5: {  	s25 =	simm.s32 $0x1B8E;
	s24 =	sld [smem:$0x3FFE];
	[sflag:s23] =	ssyncadd.s32 $0xFFFFFFFF  }
0xa6: {  	s26 =	simm.s32 $execute0_lowered;
	[smem:$0x3FD2] =	sst s25  }
0xa7: {  	s6 =	sshll.u32 s26, $0x1;
	_ =	strace $0x80000046;
	[dreg:$0x1] =	wrdreg $0xFFFFFFFF  }
0xa8: {  	s28 =	simm.s32 $_size_execute0_lowered;
	s4 =	sadd.s32 s4, s6;
	[dreg:$0x0] =	wrdreg $0x0  }
0xa9: {  	s6 =	sshll.u32 s28, $0x1;
	[dreg:$0x2] =	wrdreg s4  }
0xaa: {  	[dreg:$0x3] =	wrdreg s6  }
0xab: {  	[dreg:$0x4] =	wrdreg $0xC0  }
0xac: {  	_ =	task [dreg:s8], $0x5FFFF  }
0xad: {  	[dreg:$0x1] =	wrdreg $0xFFFFFFFF  }
0xae: {  	[dreg:$0x0] =	wrdreg $0x60  }
0xaf: {  	[dreg:$0x2] =	wrdreg s24  }
0xb0: {  	[dreg:$0x3] =	wrdreg s2  }
0xb1: {  	[dreg:$0x4] =	wrdreg s18  }
0xb2: {  	[dreg:$0x5] =	wrdreg $0x9  }
0xb3: {  	_ =	task.clear_ibuf [dreg:s8], $0x6FFFF;
	_ =	strace $0x90000046  }
0xb4: {  	s29 =	simm.s32 $0x9;
	_ =	strace $0x80000048  }
0xb5: {  	_ =	swait.ge [sflag:s29], $0x1  }
0xb6: {  	[sflag:s29] =	ssyncadd.s32 $0xFFFFFFFF  }
0xb7: {  	_ =	strace $0x90000048  }
0xb8: {  	_ =	sfence  }
0xb9: {  	s30 =	sld [smem:$0x0];
	_ =	sdelay $0x2  }
0xba: {  	s31 =	sshll.u32 s1, $0xD;
	s1 =	sshrl.u32 s1, $0x2  }
0xbb: {  	s3 =	sand.u32 $0x4000, s31;
	s1 =	sadd.s32 s1, s30  }
0xbc: {  	s0 =	sor.u32 s3, s0;
	s1 =	sshll.u32 s1, $0x11  }
0xbd: {  	s0 =	sor.u32 s1, s0  }
0xbe: {  	s0 =	sadd.s32 $0x8F2B, s0  }
0xbf: {  	[sflag:s0] =	ssyncadd.remote.s32 $0x1  }
0xc0: {  	_ =	sfence.sel $0xFFFF  }
0xc1: {  	[dreg:$0x0] =	wrdreg $0xFFFFFFFF;
	(pc) =	sbr.abs _section_cstart, $3  }
0xc2: {  	[dreg:$0x1] =	wrdreg $0xFFFFFFFF  }
0xc3: {  	_ =	task.clear_ibuf [dreg:s8], $0x2FFFF;
	_ =	strace $0x9FFFFFFF  }
0xc4: {  	(tm) =	ssettm $0x7FFFFFFF  }
0xc5: {  	_ =	shalt  }
tec
execute0_lowered:
.L_overlay_start_1:
0x0: {  	(tag) =	ssettag $0x1  }
0x1: {  	s0 =	rddreg [dreg:$0x0]  }
0x2: {  	s1 =	rddreg [dreg:$0x1]  }
0x3: {  	s3 =	rddreg [dreg:$0x2]  }
0x4: {  	s4 =	simm.s32 $0x0;
	s2 =	srdreg.scid;
	s5 =	stileid.u32  }
0x5: {  	[smem:$0x7FF] =	sst s4;
	s2 =	sand.u32 $0x1, s2;
	s5 =	sshll.u32 s5, $0x1  }
0x6: {  	s6 =	sadd.s32 $0x65A00, s0;
	s7 =	sadd.s32 $0xC9A00, s0;
	s9 =	sor.u32 s2, s5  }
0x7: {  	s8 =	sadd.s32 $0x12DA00, s0;
	s2 =	ssub.s32 $0x2, s2;
	s10 =	smul.u32 $0x19000, s9  }
0x8: {  	_ =	strace $0x80000047;
	s11 =	sshrl.u32 s2, $0x1;
	s20 =	smul.u32 $0x190000, s9  }
0x9: {  	s5 =	sadd.s32 $0x1A00, s0;
	s24 =	smul.u32 $0xC80000, s9;
	s13 =	ssub.s32 s2, s11  }
0xa: {  	s14 =	sshrl.u32 s10, $0x3;
	s23 =	sadd.s32 s3, s20;
	s20 =	sor.u32 $0x80, s10  }
0xb: {  	s25 =	sadd.s32 $0x18F80, s10;
	s0 =	smax.u32 s13, $0x1;
	s13 =	simm.s32 $0x200  }
0xc: {  	s15 =	sadd.s32 s5, s14;
	s16 =	sadd.s32 s6, s14;
	[dreg:$0xd] =	wrdreg s23  }
0xd: {  	s17 =	sor.u32 $0x10, s14;
	s12 =	sadd.s32 s7, s14;
	[dreg:$0x14] =	wrdreg s0  }
0xe: {  	s2 =	sor.u32 $0x20, s14;
	s26 =	sshrl.u32 s25, $0x3;
	[dreg:$0x4] =	wrdreg s15  }
0xf: {  	s9 =	sshll.u32 s25, $0x4;
	s14 =	simm.s32 $0x8400;
	[dreg:$0x5] =	wrdreg s16  }
0x10: {  	s23 =	simm.s32 $0x3;
	s25 =	simm.s32 $0x4;
	[dreg:$0x6] =	wrdreg s12  }
0x11: {  	s18 =	sadd.s32 s5, s17;
	s19 =	sadd.s32 s6, s17;
	s11 =	sadd.s32 s7, s17  }
0x12: {  	s21 =	sadd.s32 s5, s2;
	s22 =	sadd.s32 s6, s2;
	[dreg:$0x7] =	wrdreg s18  }
0x13: {  	s2 =	sadd.s32 s7, s2;
	s28 =	sadd.s32 s5, s26;
	[dreg:$0x8] =	wrdreg s19  }
0x14: {  	s29 =	sadd.s32 s6, s26;
	s31 =	sadd.s32 s3, s9;
	[dreg:$0x9] =	wrdreg s11  }
0x15: {  	s12 =	simm.s32 $0x400;
	s15 =	simm.s32 $0x2;
	[dreg:$0xa] =	wrdreg s21  }
0x16: {  	s16 =	simm.s32 $0x4400;
	s17 =	simm.s32 $0x380;
	[dreg:$0xb] =	wrdreg s22  }
0x17: {  	s9 =	simm.s32 $0x0;
	[dreg:$0xc] =	wrdreg s2;
	s19 =	sor.u32 $0x180, s10  }
0x18: {  	s21 =	sor.u32 $0x200, s10;
	s22 =	sor.u32 $0x100, s10;
	[dreg:$0xe] =	wrdreg s28  }
0x19: {  	s2 =	sshrl.u32 s24, $0x3;
	[dreg:$0xf] =	wrdreg s29;
	s10 =	sadd.s32 s7, s26  }
0x1a: {  	[dreg:$0x13] =	wrdreg s31;
	s11 =	simm.s32 $0x1;
	s2 =	sadd.s32 s3, s2  }
0x1b: {  	s18 =	simm.s32 $0xC400;
	[dreg:$0x10] =	wrdreg s10;
	s30 =	sadd.s32 $0x18E800, s2  }
0x1c: {  	s24 =	simm.s32 $0x5;
	s2 =	sadd.s32 $0x18F000, s2;
	[dreg:$0x11] =	wrdreg s30  }
0x1d: {  	s26 =	simm.s32 $0x6;
	[dreg:$0x12] =	wrdreg s2;
	s2 =	simm.s32 $0x80  }
.LBB2_1:
0x1e: {  	[dreg:$0x15] =	wrdreg s9  }
0x1f: {  	s0 =	rddreg [dreg:$0x4]  }
0x20: {  	[tilespmem:s4], [sflag:$0x1] =	stream.linear.gather [hbm4b:s0+s4], $0x80, $0x38;
	[tilespmem:$0x10400] =	vst v63  }
0x21: {  	s31 =	rddreg [dreg:$0x5];
	s9 =	simm.s32 $0x100  }
0x22: {  	[tilespmem:s9], [sflag:$0x1] =	stream.linear.gather [hbm4b:s31+s4], $0x80, $0x38;
	[tilespmem:$0x10400] =	vst v63  }
0x23: {  	s10 =	rddreg [dreg:$0x6];
	s28 =	simm.s32 $0x200  }
0x24: {  	[tilespmem:s28], [sflag:$0x1] =	stream.linear.gather [hbm4b:s10+s4], $0x80, $0x38;
	[tilespmem:$0x10400] =	vst v63  }
0x25: {  	s30 =	rddreg [dreg:$0x7]  }
0x26: {  	[tilespmem:s2], [sflag:$0x2] =	stream.linear.gather [hbm4b:s30+s4], $0x80, $0x38;
	[tilespmem:$0x10400] =	vst v63  }
0x27: {  	s31 =	rddreg [dreg:$0x8];
	s10 =	simm.s32 $0x180  }
0x28: {  	[tilespmem:s10], [sflag:$0x2] =	stream.linear.gather [hbm4b:s31+s4], $0x80, $0x38;
	[tilespmem:$0x10400] =	vst v63  }
0x29: {  	s30 =	simm.s32 $0x280;
	s10 =	rddreg [dreg:$0x9]  }
0x2a: {  	[tilespmem:s30], [sflag:$0x2] =	stream.linear.gather [hbm4b:s10+s4], $0x80, $0x38;
	[tilespmem:$0x10400] =	vst v63  }
0x2b: {  	_ =	swait.ge [sflag:s11], $0x80  }
0x2c: {  	[sflag:s11] =	ssyncset.done $0x0  }
0x2d: {  	[sflag:s11] =	ssyncadd.s32 $0xFFFFFF80  }
0x2e: {  	_ =	swait.ge [sflag:s11], $0x80  }
0x2f: {  	[sflag:s11] =	ssyncset.done $0x0  }
0x30: {  	[sflag:s11] =	ssyncadd.s32 $0xFFFFFF80  }
0x31: {  	_ =	swait.ge [sflag:s11], $0x80  }
0x32: {  	[sflag:s11] =	ssyncset.done $0x0  }
0x33: {  	[sflag:s11] =	ssyncadd.s32 $0xFFFFFF80  }
0x34: {  	v0 =	vld [tilespmem:$0x100]  }
0x35: {  	v1 =	vld [tilespmem:$0x200]  }
0x36: {  	v2 =	vld [tilespmem:$0x110]  }
0x37: {  	v3 =	vld [tilespmem:$0x210]  }
0x38: {  	v4 =	vld [tilespmem:$0x120]  }
0x39: {  	v5 =	vld [tilespmem:$0x220]  }
0x3a: {  	v6 =	vld [tilespmem:$0x130]  }
0x3b: {  	v7 =	vld [tilespmem:$0x230]  }
0x3c: {  	v8 =	vld [tilespmem:$0x140]  }
0x3d: {  	v9 =	vld [tilespmem:$0x240]  }
0x3e: {  	v10 =	vld [tilespmem:$0x150]  }
0x3f: {  	v11 =	vld [tilespmem:$0x250]  }
0x40: {  	v12 =	vld [tilespmem:$0x160];
	v0 =	vshll.u32 v0, $0x5  }
0x41: {  	v18 =	vld [tilespmem:$0x260];
	v17 =	vshll.u32 v2, $0x5;
	v0 =	vadd.s32 v1, v0  }
0x42: {  	v21 =	vld [tilespmem:$0x170];
	v20 =	vshll.u32 v4, $0x5;
	v19 =	vadd.s32 v3, v17;
	[tilespmem:$0x300] =	vst v0  }
0x43: {  	v24 =	vld [tilespmem:$0x270];
	v23 =	vshll.u32 v6, $0x5;
	v22 =	vadd.s32 v5, v20;
	[tilespmem:$0x310] =	vst v19  }
0x44: {  	v26 =	vshll.u32 v8, $0x5;
	v25 =	vadd.s32 v7, v23;
	[tilespmem:$0x320] =	vst v22  }
0x45: {  	v28 =	vshll.u32 v10, $0x5;
	v27 =	vadd.s32 v9, v26;
	[tilespmem:$0x330] =	vst v25  }
0x46: {  	v30 =	vshll.u32 v12, $0x5;
	v29 =	vadd.s32 v11, v28;
	[tilespmem:$0x340] =	vst v27  }
0x47: {  	v32 =	vshll.u32 v21, $0x5;
	v31 =	vadd.s32 v18, v30;
	[tilespmem:$0x350] =	vst v29  }
0x48: {  	v33 =	vadd.s32 v24, v32;
	[tilespmem:$0x360] =	vst v31  }
0x49: {  	[tilespmem:$0x370] =	vst v33  }
0x4a: {  	[tilespmem:s12], [sflag:$0x3] =	stream.indirect.gather [hbm4b:s1+s2], $0x80, s4, s2, $0xb8;
	[tilespmem:$0x10400] =	vst v63  }
0x4b: {  	s31 =	simm.s32 $0x300  }
0x4c: {  	[tilespmem:s14], [sflag:$0x3] =	stream.indirect.gather [hbm4b:s8+s2], $0x80, s31, s2, $0xb8;
	[tilespmem:$0x10400] =	vst v63  }
0x4d: {  	_ =	swait.ge [sflag:s15], $0x80  }
0x4e: {  	[sflag:s15] =	ssyncset.done $0x0  }
0x4f: {  	[sflag:s15] =	ssyncadd.s32 $0xFFFFFF80  }
0x50: {  	_ =	swait.ge [sflag:s15], $0x80  }
0x51: {  	[sflag:s15] =	ssyncset.done $0x0  }
0x52: {  	[sflag:s15] =	ssyncadd.s32 $0xFFFFFF80  }
0x53: {  	_ =	swait.ge [sflag:s15], $0x80  }
0x54: {  	[sflag:s15] =	ssyncset.done $0x0  }
0x55: {  	[sflag:s15] =	ssyncadd.s32 $0xFFFFFF80  }
0x56: {  	v34 =	vld [tilespmem:$0x180]  }
0x57: {  	v35 =	vld [tilespmem:$0x280]  }
0x58: {  	v36 =	vld [tilespmem:$0x190]  }
0x59: {  	v37 =	vld [tilespmem:$0x290]  }
0x5a: {  	v38 =	vld [tilespmem:$0x1A0]  }
0x5b: {  	v39 =	vld [tilespmem:$0x2A0]  }
0x5c: {  	v40 =	vld [tilespmem:$0x1B0]  }
0x5d: {  	v41 =	vld [tilespmem:$0x2B0]  }
0x5e: {  	v42 =	vld [tilespmem:$0x1C0]  }
0x5f: {  	v43 =	vld [tilespmem:$0x2C0]  }
0x60: {  	v44 =	vld [tilespmem:$0x1D0]  }
0x61: {  	v45 =	vld [tilespmem:$0x2D0]  }
0x62: {  	v46 =	vld [tilespmem:$0x1E0];
	v0 =	vshll.u32 v34, $0x5  }
0x63: {  	v48 =	vld [tilespmem:$0x2E0];
	v47 =	vshll.u32 v36, $0x5;
	v0 =	vadd.s32 v35, v0  }
0x64: {  	v51 =	vld [tilespmem:$0x1F0];
	v50 =	vshll.u32 v38, $0x5;
	v49 =	vadd.s32 v37, v47;
	[tilespmem:$0x380] =	vst v0  }
0x65: {  	v54 =	vld [tilespmem:$0x2F0];
	v53 =	vshll.u32 v40, $0x5;
	v52 =	vadd.s32 v39, v50;
	[tilespmem:$0x390] =	vst v49  }
0x66: {  	v56 =	vshll.u32 v42, $0x5;
	v55 =	vadd.s32 v41, v53;
	[tilespmem:$0x3A0] =	vst v52  }
0x67: {  	v58 =	vshll.u32 v44, $0x5;
	v57 =	vadd.s32 v43, v56;
	[tilespmem:$0x3B0] =	vst v55  }
0x68: {  	v60 =	vshll.u32 v46, $0x5;
	v59 =	vadd.s32 v45, v58;
	[tilespmem:$0x3C0] =	vst v57  }
0x69: {  	v62 =	vshll.u32 v51, $0x5;
	v61 =	vadd.s32 v48, v60;
	[tilespmem:$0x3D0] =	vst v59  }
0x6a: {  	v63 =	vadd.s32 v54, v62;
	[tilespmem:$0x3E0] =	vst v61  }
0x6b: {  	[tilespmem:$0x3F0] =	vst v63  }
0x6c: {  	[tilespmem:s16], [sflag:$0x4] =	stream.indirect.gather [hbm4b:s1+s2], $0x80, s2, s2, $0xb8;
	[tilespmem:$0x10400] =	vst v63  }
0x6d: {  	_ = 	snop  }
0x6e: {  	[tilespmem:s18], [sflag:$0x4] =	stream.indirect.gather [hbm4b:s8+s2], $0x80, s17, s2, $0xb8;
	[tilespmem:$0x10400] =	vst v63  }
0x6f: {  	_ =	swait.ge [sflag:s23], $0x4000  }
0x70: {  	[sflag:s23] =	ssyncset.done $0x0  }
0x71: {  	[sflag:s23] =	ssyncadd.s32 $0xFFFFC000  }
0x72: {  	_ =	swait.ge [sflag:s23], $0x4000  }
0x73: {  	[sflag:s23] =	ssyncset.done $0x0  }
0x74: {  	s10 =	rddreg [dreg:$0xa];
	[sflag:s23] =	ssyncadd.s32 $0xFFFFC000  }
0x75: {  	[tilespmem:s4], [sflag:$0x1] =	stream.linear.gather [hbm4b:s10+s4], $0x80, $0x38;
	[tilespmem:$0x10400] =	vst v63  }
0x76: {  	s30 =	rddreg [dreg:$0xb]  }
0x77: {  	[tilespmem:s9], [sflag:$0x1] =	stream.linear.gather [hbm4b:s30+s4], $0x80, $0x38;
	[tilespmem:$0x10400] =	vst v63  }
0x78: {  	s31 =	rddreg [dreg:$0xc]  }
0x79: {  	[tilespmem:s28], [sflag:$0x1] =	stream.linear.gather [hbm4b:s31+s4], $0x80, $0x38;
	[tilespmem:$0x10400] =	vst v63  }
0x7a: {  	s29 =	simm.s32 $0x200;
	s10 =	simm.s32 $0x100;
	s28 =	simm.s32 $0x0  }
.LBB2_2:
0x7b: {  	p0 =	sne.s32 s29, $0xFE00;
	v0 =	vld [tilespmem:s28+$0x8470]  }
0x7c: {  	v1 =	vld [tilespmem:s28+$0x8400]  }
0x7d: {  	v2 =	vld [tilespmem:s28+$0x8410]  }
0x7e: {  	v3 =	vld [tilespmem:s28+$0x8420]  }
0x7f: {  	v4 =	vld [tilespmem:s28+$0x8430]  }
0x80: {  	[tilespmem:s28+$0x470] =	vst.add.f32.msk $0xffff, v0  }
0x81: {  	v0 =	vld [tilespmem:s28+$0x8440]  }
0x82: {  	v5 =	vld [tilespmem:s28+$0x8450]  }
0x83: {  	v6 =	vld [tilespmem:s28+$0x8460]  }
0x84: {  	[tilespmem:s28+$0x400] =	vst.add.f32.msk $0xffff, v1  }
0x85: {  	[tilespmem:s28+$0x410] =	vst.add.f32.msk $0xffff, v2  }
.Ltmp0:
0x86: {  	[tilespmem:s28+$0x420] =	vst.add.f32.msk $0xffff, v3;
	(pc) =	sbr.rel @p0 .LBB2_2-.Ltmp0, $4  }
0x87: {  	[tilespmem:s28+$0x430] =	vst.add.f32.msk $0xffff, v4  }
0x88: {  	[tilespmem:s28+$0x440] =	vst.add.f32.msk $0xffff, v0  }
0x89: {  	[tilespmem:s28+$0x450] =	vst.add.f32.msk $0xffff, v5  }
0x8a: {  	[tilespmem:s28+$0x460] =	vst.add.f32.msk $0xffff, v6;
	s28 =	sshra.s32 s29, $0x2;
	s29 =	sadd.s32 $0x200, s29  }
0x8b: {  	v0 =	vld [tilespmem:s28+$0x8470]  }
0x8c: {  	v1 =	vld [tilespmem:s28+$0x8400]  }
0x8d: {  	v2 =	vld [tilespmem:s28+$0x8410]  }
0x8e: {  	v3 =	vld [tilespmem:s28+$0x8420]  }
0x8f: {  	v4 =	vld [tilespmem:s28+$0x8430]  }
0x90: {  	v63 =	vld [tilespmem:s28+$0x8440]  }
0x91: {  	v5 =	vld [tilespmem:s28+$0x8450]  }
0x92: {  	v6 =	vld [tilespmem:s28+$0x8460]  }
0x93: {  	[tilespmem:s28+$0x470] =	vst.add.f32.msk $0xffff, v0  }
0x94: {  	[tilespmem:s28+$0x400] =	vst.add.f32.msk $0xffff, v1  }
0x95: {  	[tilespmem:s28+$0x410] =	vst.add.f32.msk $0xffff, v2  }
0x96: {  	[tilespmem:s28+$0x420] =	vst.add.f32.msk $0xffff, v3  }
0x97: {  	[tilespmem:s28+$0x430] =	vst.add.f32.msk $0xffff, v4  }
0x98: {  	[tilespmem:s28+$0x440] =	vst.add.f32.msk $0xffff, v63  }
0x99: {  	[tilespmem:s28+$0x450] =	vst.add.f32.msk $0xffff, v5  }
0x9a: {  	s29 =	simm.s32 $0x0;
	s0 =	rddreg [dreg:$0xd];
	s30 =	simm.s32 $0x0;
	[tilespmem:s28+$0x460] =	vst.add.f32.msk $0xffff, v6  }
0x9b: {  	[hbm4b:s0+s29] =	stream.linear.scatter [tilespmem:s12], [sflag:$0x5], $0x4000, $0x38;
	[tilespmem:$0x10400] =	vst v63  }
.LBB2_4:
0x9c: {  	_ =	swait.ge [sflag:s11], $0x80  }
0x9d: {  	[sflag:s11] =	ssyncset.done $0x0  }
0x9e: {  	[sflag:s11] =	ssyncadd.s32 $0xFFFFFF80  }
0x9f: {  	_ =	swait.ge [sflag:s11], $0x80  }
0xa0: {  	[sflag:s11] =	ssyncset.done $0x0  }
0xa1: {  	[sflag:s11] =	ssyncadd.s32 $0xFFFFFF80  }
0xa2: {  	_ =	swait.ge [sflag:s11], $0x80  }
0xa3: {  	[sflag:s11] =	ssyncset.done $0x0  }
0xa4: {  	[sflag:s11] =	ssyncadd.s32 $0xFFFFFF80  }
0xa5: {  	v0 =	vld [tilespmem:$0x100]  }
0xa6: {  	v1 =	vld [tilespmem:$0x200]  }
0xa7: {  	v2 =	vld [tilespmem:$0x110]  }
0xa8: {  	v3 =	vld [tilespmem:$0x210]  }
0xa9: {  	v4 =	vld [tilespmem:$0x120]  }
0xaa: {  	v5 =	vld [tilespmem:$0x220]  }
0xab: {  	v6 =	vld [tilespmem:$0x130]  }
0xac: {  	v7 =	vld [tilespmem:$0x230]  }
0xad: {  	v8 =	vld [tilespmem:$0x140]  }
0xae: {  	v9 =	vld [tilespmem:$0x240]  }
0xaf: {  	v10 =	vld [tilespmem:$0x150]  }
0xb0: {  	v11 =	vld [tilespmem:$0x250]  }
0xb1: {  	v12 =	vld [tilespmem:$0x160];
	v0 =	vshll.u32 v0, $0x5  }
0xb2: {  	v48 =	vld [tilespmem:$0x260];
	v47 =	vshll.u32 v2, $0x5;
	v0 =	vadd.s32 v1, v0  }
0xb3: {  	v51 =	vld [tilespmem:$0x170];
	v50 =	vshll.u32 v4, $0x5;
	v49 =	vadd.s32 v3, v47;
	[tilespmem:$0x300] =	vst v0  }
0xb4: {  	v54 =	vld [tilespmem:$0x270];
	v53 =	vshll.u32 v6, $0x5;
	v52 =	vadd.s32 v5, v50;
	[tilespmem:$0x310] =	vst v49  }
0xb5: {  	v56 =	vshll.u32 v8, $0x5;
	v55 =	vadd.s32 v7, v53;
	[tilespmem:$0x320] =	vst v52  }
0xb6: {  	v58 =	vshll.u32 v10, $0x5;
	v57 =	vadd.s32 v9, v56;
	[tilespmem:$0x330] =	vst v55  }
0xb7: {  	v60 =	vshll.u32 v12, $0x5;
	v59 =	vadd.s32 v11, v58;
	[tilespmem:$0x340] =	vst v57  }
0xb8: {  	v62 =	vshll.u32 v51, $0x5;
	v61 =	vadd.s32 v48, v60;
	[tilespmem:$0x350] =	vst v59  }
0xb9: {  	v63 =	vadd.s32 v54, v62;
	[tilespmem:$0x360] =	vst v61  }
0xba: {  	[tilespmem:$0x370] =	vst v63  }
0xbb: {  	_ =	swait.ge [sflag:s24], $0x4000  }
0xbc: {  	[sflag:s24] =	ssyncset.done $0x0  }
0xbd: {  	[sflag:s24] =	ssyncadd.s32 $0xFFFFC000  }
0xbe: {  	[tilespmem:s12], [sflag:$0x3] =	stream.indirect.gather [hbm4b:s1+s2], $0x80, s29, s2, $0xb8;
	[tilespmem:$0x10400] =	vst v63  }
0xbf: {  	s0 =	simm.s32 $0x300  }
0xc0: {  	[tilespmem:s14], [sflag:$0x3] =	stream.indirect.gather [hbm4b:s8+s2], $0x80, s0, s2, $0xb8;
	[tilespmem:$0x10400] =	vst v63  }
0xc1: {  	_ =	swait.ge [sflag:s25], $0x4000  }
0xc2: {  	[sflag:s25] =	ssyncset.done $0x0  }
0xc3: {  	s28 =	sshll.u32 s30, $0x8;
	[sflag:s25] =	ssyncadd.s32 $0xFFFFC000  }
0xc4: {  	s9 =	sadd.s32 s28, s19;
	_ =	swait.ge [sflag:s25], $0x4000  }
0xc5: {  	s0 =	sshrl.u32 s9, $0x3;
	[sflag:s25] =	ssyncset.done $0x0  }
0xc6: {  	s31 =	sadd.s32 s5, s0;
	[sflag:s25] =	ssyncadd.s32 $0xFFFFC000  }
0xc7: {  	[tilespmem:s2], [sflag:$0x2] =	stream.linear.gather [hbm4b:s31+s29], $0x80, $0x38;
	[tilespmem:$0x10400] =	vst v63  }
0xc8: {  	s9 =	simm.s32 $0x180;
	s31 =	sadd.s32 s6, s0  }
0xc9: {  	[tilespmem:s9], [sflag:$0x2] =	stream.linear.gather [hbm4b:s31+s29], $0x80, $0x38;
	[tilespmem:$0x10400] =	vst v63  }
0xca: {  	s0 =	sadd.s32 s7, s0;
	s9 =	simm.s32 $0x280  }
0xcb: {  	[tilespmem:s9], [sflag:$0x2] =	stream.linear.gather [hbm4b:s0+s29], $0x80, $0x38;
	[tilespmem:$0x10400] =	vst v63  }
0xcc: {  	s31 =	simm.s32 $0x0;
	s0 =	simm.s32 $0x200  }
.LBB2_5:
0xcd: {  	p0 =	sne.s32 s0, $0xFE00;
	v0 =	vld [tilespmem:s31+$0xC470]  }
0xce: {  	v1 =	vld [tilespmem:s31+$0xC400]  }
0xcf: {  	v2 =	vld [tilespmem:s31+$0xC410]  }
0xd0: {  	v3 =	vld [tilespmem:s31+$0xC420]  }
0xd1: {  	v4 =	vld [tilespmem:s31+$0xC430]  }
0xd2: {  	[tilespmem:s31+$0x4470] =	vst.add.f32.msk $0xffff, v0  }
0xd3: {  	v0 =	vld [tilespmem:s31+$0xC440]  }
0xd4: {  	v5 =	vld [tilespmem:s31+$0xC450]  }
0xd5: {  	v6 =	vld [tilespmem:s31+$0xC460]  }
0xd6: {  	[tilespmem:s31+$0x4400] =	vst.add.f32.msk $0xffff, v1  }
0xd7: {  	[tilespmem:s31+$0x4410] =	vst.add.f32.msk $0xffff, v2  }
.Ltmp1:
0xd8: {  	[tilespmem:s31+$0x4420] =	vst.add.f32.msk $0xffff, v3;
	(pc) =	sbr.rel @p0 .LBB2_5-.Ltmp1, $4  }
0xd9: {  	[tilespmem:s31+$0x4430] =	vst.add.f32.msk $0xffff, v4  }
0xda: {  	[tilespmem:s31+$0x4440] =	vst.add.f32.msk $0xffff, v0  }
0xdb: {  	[tilespmem:s31+$0x4450] =	vst.add.f32.msk $0xffff, v5  }
0xdc: {  	[tilespmem:s31+$0x4460] =	vst.add.f32.msk $0xffff, v6;
	s31 =	sshra.s32 s0, $0x2;
	s0 =	sadd.s32 $0x200, s0  }
0xdd: {  	v0 =	vld [tilespmem:s31+$0xC470]  }
0xde: {  	v1 =	vld [tilespmem:s31+$0xC400]  }
0xdf: {  	v2 =	vld [tilespmem:s31+$0xC410]  }
0xe0: {  	v3 =	vld [tilespmem:s31+$0xC420]  }
0xe1: {  	v4 =	vld [tilespmem:s31+$0xC430]  }
0xe2: {  	v39 =	vld [tilespmem:s31+$0xC440]  }
0xe3: {  	v5 =	vld [tilespmem:s31+$0xC450]  }
0xe4: {  	v6 =	vld [tilespmem:s31+$0xC460]  }
0xe5: {  	[tilespmem:s31+$0x4470] =	vst.add.f32.msk $0xffff, v0  }
0xe6: {  	[tilespmem:s31+$0x4400] =	vst.add.f32.msk $0xffff, v1  }
0xe7: {  	[tilespmem:s31+$0x4410] =	vst.add.f32.msk $0xffff, v2  }
0xe8: {  	[tilespmem:s31+$0x4420] =	vst.add.f32.msk $0xffff, v3  }
0xe9: {  	[tilespmem:s31+$0x4430] =	vst.add.f32.msk $0xffff, v4  }
0xea: {  	s0 =	sadd.s32 s28, s20;
	[tilespmem:s31+$0x4440] =	vst.add.f32.msk $0xffff, v39  }
0xeb: {  	s0 =	sshll.u32 s0, $0x4;
	[tilespmem:s31+$0x4450] =	vst.add.f32.msk $0xffff, v5  }
0xec: {  	s0 =	sadd.s32 s3, s0;
	[tilespmem:s31+$0x4460] =	vst.add.f32.msk $0xffff, v6;
	s31 =	simm.s32 $0x0  }
0xed: {  	[hbm4b:s0+s31] =	stream.linear.scatter [tilespmem:s16], [sflag:$0x6], $0x4000, $0x38;
	[tilespmem:$0x10400] =	vst v63  }
0xee: {  	_ =	swait.ge [sflag:s15], $0x80  }
0xef: {  	[sflag:s15] =	ssyncset.done $0x0  }
0xf0: {  	[sflag:s15] =	ssyncadd.s32 $0xFFFFFF80  }
0xf1: {  	_ =	swait.ge [sflag:s15], $0x80  }
0xf2: {  	[sflag:s15] =	ssyncset.done $0x0  }
0xf3: {  	[sflag:s15] =	ssyncadd.s32 $0xFFFFFF80  }
0xf4: {  	_ =	swait.ge [sflag:s15], $0x80  }
0xf5: {  	[sflag:s15] =	ssyncset.done $0x0  }
0xf6: {  	[sflag:s15] =	ssyncadd.s32 $0xFFFFFF80  }
0xf7: {  	v40 =	vld [tilespmem:$0x180]  }
0xf8: {  	v41 =	vld [tilespmem:$0x280]  }
0xf9: {  	v42 =	vld [tilespmem:$0x190]  }
0xfa: {  	v43 =	vld [tilespmem:$0x290]  }
0xfb: {  	v44 =	vld [tilespmem:$0x1A0]  }
0xfc: {  	v45 =	vld [tilespmem:$0x2A0]  }
0xfd: {  	v46 =	vld [tilespmem:$0x1B0]  }
0xfe: {  	v7 =	vld [tilespmem:$0x2B0]  }
0xff: {  	v8 =	vld [tilespmem:$0x1C0]  }
0x100: {  	v9 =	vld [tilespmem:$0x2C0]  }
0x101: {  	v10 =	vld [tilespmem:$0x1D0]  }
0x102: {  	v11 =	vld [tilespmem:$0x2D0]  }
0x103: {  	v12 =	vld [tilespmem:$0x1E0];
	v0 =	vshll.u32 v40, $0x5  }
0x104: {  	v48 =	vld [tilespmem:$0x2E0];
	v47 =	vshll.u32 v42, $0x5;
	v0 =	vadd.s32 v41, v0  }
0x105: {  	v51 =	vld [tilespmem:$0x1F0];
	v50 =	vshll.u32 v44, $0x5;
	v49 =	vadd.s32 v43, v47;
	[tilespmem:$0x380] =	vst v0  }
0x106: {  	v54 =	vld [tilespmem:$0x2F0];
	v53 =	vshll.u32 v46, $0x5;
	v52 =	vadd.s32 v45, v50;
	[tilespmem:$0x390] =	vst v49  }
0x107: {  	v56 =	vshll.u32 v8, $0x5;
	v55 =	vadd.s32 v7, v53;
	[tilespmem:$0x3A0] =	vst v52  }
0x108: {  	v58 =	vshll.u32 v10, $0x5;
	v57 =	vadd.s32 v9, v56;
	[tilespmem:$0x3B0] =	vst v55  }
0x109: {  	v60 =	vshll.u32 v12, $0x5;
	v59 =	vadd.s32 v11, v58;
	[tilespmem:$0x3C0] =	vst v57  }
0x10a: {  	v62 =	vshll.u32 v51, $0x5;
	v61 =	vadd.s32 v48, v60;
	[tilespmem:$0x3D0] =	vst v59  }
0x10b: {  	v63 =	vadd.s32 v54, v62;
	[tilespmem:$0x3E0] =	vst v61  }
0x10c: {  	[tilespmem:$0x3F0] =	vst v63  }
0x10d: {  	_ =	swait.ge [sflag:s26], $0x4000  }
0x10e: {  	[sflag:s26] =	ssyncset.done $0x0  }
0x10f: {  	[sflag:s26] =	ssyncadd.s32 $0xFFFFC000  }
0x110: {  	[tilespmem:s16], [sflag:$0x4] =	stream.indirect.gather [hbm4b:s1+s2], $0x80, s2, s2, $0xb8;
	[tilespmem:$0x10400] =	vst v63  }
0x111: {  	_ = 	snop  }
0x112: {  	[tilespmem:s18], [sflag:$0x4] =	stream.indirect.gather [hbm4b:s8+s2], $0x80, s17, s2, $0xb8;
	[tilespmem:$0x10400] =	vst v63  }
0x113: {  	_ =	swait.ge [sflag:s23], $0x4000  }
0x114: {  	[sflag:s23] =	ssyncset.done $0x0  }
0x115: {  	[sflag:s23] =	ssyncadd.s32 $0xFFFFC000  }
0x116: {  	s9 =	sadd.s32 s28, s21;
	_ =	swait.ge [sflag:s23], $0x4000  }
0x117: {  	s0 =	sshrl.u32 s9, $0x3;
	[sflag:s23] =	ssyncset.done $0x0  }
0x118: {  	s9 =	sadd.s32 s5, s0;
	[sflag:s23] =	ssyncadd.s32 $0xFFFFC000  }
0x119: {  	[tilespmem:s31], [sflag:$0x1] =	stream.linear.gather [hbm4b:s9+s31], $0x80, $0x38;
	[tilespmem:$0x10400] =	vst v63  }
0x11a: {  	s9 =	sadd.s32 s6, s0  }
0x11b: {  	[tilespmem:s10], [sflag:$0x1] =	stream.linear.gather [hbm4b:s9+s31], $0x80, $0x38;
	[tilespmem:$0x10400] =	vst v63  }
0x11c: {  	s0 =	sadd.s32 s7, s0  }
0x11d: {  	[tilespmem:s13], [sflag:$0x1] =	stream.linear.gather [hbm4b:s0+s31], $0x80, $0x38;
	[tilespmem:$0x10400] =	vst v63  }
0x11e: {  	s31 =	simm.s32 $0x0;
	s0 =	simm.s32 $0x200  }
.LBB2_7:
0x11f: {  	p0 =	sne.s32 s0, $0xFE00;
	v0 =	vld [tilespmem:s31+$0x8470]  }
0x120: {  	v1 =	vld [tilespmem:s31+$0x8400]  }
0x121: {  	v2 =	vld [tilespmem:s31+$0x8410]  }
0x122: {  	v3 =	vld [tilespmem:s31+$0x8420]  }
0x123: {  	v4 =	vld [tilespmem:s31+$0x8430]  }
0x124: {  	[tilespmem:s31+$0x470] =	vst.add.f32.msk $0xffff, v0  }
0x125: {  	v0 =	vld [tilespmem:s31+$0x8440]  }
0x126: {  	v5 =	vld [tilespmem:s31+$0x8450]  }
0x127: {  	v6 =	vld [tilespmem:s31+$0x8460]  }
0x128: {  	[tilespmem:s31+$0x400] =	vst.add.f32.msk $0xffff, v1  }
0x129: {  	[tilespmem:s31+$0x410] =	vst.add.f32.msk $0xffff, v2  }
.Ltmp2:
0x12a: {  	[tilespmem:s31+$0x420] =	vst.add.f32.msk $0xffff, v3;
	(pc) =	sbr.rel @p0 .LBB2_7-.Ltmp2, $4  }
0x12b: {  	[tilespmem:s31+$0x430] =	vst.add.f32.msk $0xffff, v4  }
0x12c: {  	[tilespmem:s31+$0x440] =	vst.add.f32.msk $0xffff, v0  }
0x12d: {  	[tilespmem:s31+$0x450] =	vst.add.f32.msk $0xffff, v5  }
0x12e: {  	[tilespmem:s31+$0x460] =	vst.add.f32.msk $0xffff, v6;
	s31 =	sshra.s32 s0, $0x2;
	s0 =	sadd.s32 $0x200, s0  }
0x12f: {  	v0 =	vld [tilespmem:s31+$0x8470]  }
0x130: {  	v1 =	vld [tilespmem:s31+$0x8400]  }
0x131: {  	v2 =	vld [tilespmem:s31+$0x8410]  }
0x132: {  	v3 =	vld [tilespmem:s31+$0x8420]  }
0x133: {  	v4 =	vld [tilespmem:s31+$0x8430]  }
0x134: {  	v63 =	vld [tilespmem:s31+$0x8440]  }
0x135: {  	v5 =	vld [tilespmem:s31+$0x8450]  }
0x136: {  	v6 =	vld [tilespmem:s31+$0x8460]  }
0x137: {  	[tilespmem:s31+$0x470] =	vst.add.f32.msk $0xffff, v0  }
0x138: {  	[tilespmem:s31+$0x400] =	vst.add.f32.msk $0xffff, v1  }
0x139: {  	s30 =	sadd.s32 $0x1, s30;
	[tilespmem:s31+$0x410] =	vst.add.f32.msk $0xffff, v2  }
0x13a: {  	p0 =	sne.s32 s30, $0x18E;
	[tilespmem:s31+$0x420] =	vst.add.f32.msk $0xffff, v3  }
.Ltmp3:
0x13b: {  	[tilespmem:s31+$0x430] =	vst.add.f32.msk $0xffff, v4;
	(pc) =	sbr.rel @p0 .LBB2_4-.Ltmp3, $4  }
0x13c: {  	s0 =	sadd.s32 s28, s22;
	[tilespmem:s31+$0x440] =	vst.add.f32.msk $0xffff, v63  }
0x13d: {  	s0 =	sshll.u32 s0, $0x4;
	[tilespmem:s31+$0x450] =	vst.add.f32.msk $0xffff, v5  }
0x13e: {  	s0 =	sadd.s32 s3, s0;
	[tilespmem:s31+$0x460] =	vst.add.f32.msk $0xffff, v6  }
0x13f: {  	[hbm4b:s0+s4] =	stream.linear.scatter [tilespmem:s12], [sflag:$0x5], $0x4000, $0x38;
	[tilespmem:$0x10400] =	vst v63  }
0x140: {  	_ =	swait.ge [sflag:s11], $0x80  }
0x141: {  	[sflag:s11] =	ssyncset.done $0x0  }
0x142: {  	[sflag:s11] =	ssyncadd.s32 $0xFFFFFF80  }
0x143: {  	_ =	swait.ge [sflag:s11], $0x80  }
0x144: {  	[sflag:s11] =	ssyncset.done $0x0  }
0x145: {  	[sflag:s11] =	ssyncadd.s32 $0xFFFFFF80  }
0x146: {  	_ =	swait.ge [sflag:s11], $0x80  }
0x147: {  	[sflag:s11] =	ssyncset.done $0x0  }
0x148: {  	[sflag:s11] =	ssyncadd.s32 $0xFFFFFF80  }
0x149: {  	v0 =	vld [tilespmem:$0x100]  }
0x14a: {  	v1 =	vld [tilespmem:$0x200]  }
0x14b: {  	v2 =	vld [tilespmem:$0x110]  }
0x14c: {  	v3 =	vld [tilespmem:$0x210]  }
0x14d: {  	v4 =	vld [tilespmem:$0x120]  }
0x14e: {  	v5 =	vld [tilespmem:$0x220]  }
0x14f: {  	v6 =	vld [tilespmem:$0x130]  }
0x150: {  	v7 =	vld [tilespmem:$0x230]  }
0x151: {  	v8 =	vld [tilespmem:$0x140]  }
0x152: {  	v9 =	vld [tilespmem:$0x240]  }
0x153: {  	v10 =	vld [tilespmem:$0x150]  }
0x154: {  	v11 =	vld [tilespmem:$0x250]  }
0x155: {  	v12 =	vld [tilespmem:$0x160];
	v0 =	vshll.u32 v0, $0x5  }
0x156: {  	v48 =	vld [tilespmem:$0x260];
	v47 =	vshll.u32 v2, $0x5;
	v0 =	vadd.s32 v1, v0  }
0x157: {  	v51 =	vld [tilespmem:$0x170];
	v50 =	vshll.u32 v4, $0x5;
	v49 =	vadd.s32 v3, v47;
	[tilespmem:$0x300] =	vst v0  }
0x158: {  	v54 =	vld [tilespmem:$0x270];
	v53 =	vshll.u32 v6, $0x5;
	v52 =	vadd.s32 v5, v50;
	[tilespmem:$0x310] =	vst v49  }
0x159: {  	v56 =	vshll.u32 v8, $0x5;
	v55 =	vadd.s32 v7, v53;
	[tilespmem:$0x320] =	vst v52  }
0x15a: {  	v58 =	vshll.u32 v10, $0x5;
	v57 =	vadd.s32 v9, v56;
	[tilespmem:$0x330] =	vst v55  }
0x15b: {  	v60 =	vshll.u32 v12, $0x5;
	v59 =	vadd.s32 v11, v58;
	[tilespmem:$0x340] =	vst v57  }
0x15c: {  	v62 =	vshll.u32 v51, $0x5;
	v61 =	vadd.s32 v48, v60;
	[tilespmem:$0x350] =	vst v59  }
0x15d: {  	v63 =	vadd.s32 v54, v62;
	[tilespmem:$0x360] =	vst v61  }
0x15e: {  	[tilespmem:$0x370] =	vst v63  }
0x15f: {  	_ =	swait.ge [sflag:s24], $0x4000  }
0x160: {  	[sflag:s24] =	ssyncset.done $0x0  }
0x161: {  	s0 =	simm.s32 $0x0;
	[sflag:s24] =	ssyncadd.s32 $0xFFFFC000  }
0x162: {  	[tilespmem:s12], [sflag:$0x3] =	stream.indirect.gather [hbm4b:s1+s2], $0x80, s0, s2, $0xb8;
	[tilespmem:$0x10400] =	vst v63  }
0x163: {  	s9 =	simm.s32 $0x300  }
0x164: {  	[tilespmem:s14], [sflag:$0x3] =	stream.indirect.gather [hbm4b:s8+s2], $0x80, s9, s2, $0xb8;
	[tilespmem:$0x10400] =	vst v63  }
0x165: {  	_ =	swait.ge [sflag:s25], $0x4000  }
0x166: {  	[sflag:s25] =	ssyncset.done $0x0  }
0x167: {  	[sflag:s25] =	ssyncadd.s32 $0xFFFFC000  }
0x168: {  	_ =	swait.ge [sflag:s25], $0x4000  }
0x169: {  	[sflag:s25] =	ssyncset.done $0x0  }
0x16a: {  	s10 =	rddreg [dreg:$0xe];
	[sflag:s25] =	ssyncadd.s32 $0xFFFFC000  }
0x16b: {  	[tilespmem:s2], [sflag:$0x2] =	stream.linear.gather [hbm4b:s10+s0], $0x80, $0x38;
	[tilespmem:$0x10400] =	vst v63  }
0x16c: {  	s29 =	rddreg [dreg:$0xf];
	s10 =	simm.s32 $0x180  }
0x16d: {  	[tilespmem:s10], [sflag:$0x2] =	stream.linear.gather [hbm4b:s29+s0], $0x80, $0x38;
	[tilespmem:$0x10400] =	vst v63  }
0x16e: {  	s31 =	simm.s32 $0x280;
	s30 =	rddreg [dreg:$0x10]  }
0x16f: {  	[tilespmem:s31], [sflag:$0x2] =	stream.linear.gather [hbm4b:s30+s0], $0x80, $0x38;
	[tilespmem:$0x10400] =	vst v63  }
0x170: {  	s28 =	simm.s32 $0x0;
	s0 =	simm.s32 $0x200  }
.LBB2_10:
0x171: {  	p0 =	sne.s32 s0, $0xFE00;
	v0 =	vld [tilespmem:s28+$0xC470]  }
0x172: {  	v1 =	vld [tilespmem:s28+$0xC400]  }
0x173: {  	v2 =	vld [tilespmem:s28+$0xC410]  }
0x174: {  	v3 =	vld [tilespmem:s28+$0xC420]  }
0x175: {  	v4 =	vld [tilespmem:s28+$0xC430]  }
0x176: {  	[tilespmem:s28+$0x4470] =	vst.add.f32.msk $0xffff, v0  }
0x177: {  	v0 =	vld [tilespmem:s28+$0xC440]  }
0x178: {  	v5 =	vld [tilespmem:s28+$0xC450]  }
0x179: {  	v6 =	vld [tilespmem:s28+$0xC460]  }
0x17a: {  	[tilespmem:s28+$0x4400] =	vst.add.f32.msk $0xffff, v1  }
0x17b: {  	[tilespmem:s28+$0x4410] =	vst.add.f32.msk $0xffff, v2  }
.Ltmp4:
0x17c: {  	[tilespmem:s28+$0x4420] =	vst.add.f32.msk $0xffff, v3;
	(pc) =	sbr.rel @p0 .LBB2_10-.Ltmp4, $4  }
0x17d: {  	[tilespmem:s28+$0x4430] =	vst.add.f32.msk $0xffff, v4  }
0x17e: {  	[tilespmem:s28+$0x4440] =	vst.add.f32.msk $0xffff, v0  }
0x17f: {  	[tilespmem:s28+$0x4450] =	vst.add.f32.msk $0xffff, v5  }
0x180: {  	[tilespmem:s28+$0x4460] =	vst.add.f32.msk $0xffff, v6;
	s28 =	sshra.s32 s0, $0x2;
	s0 =	sadd.s32 $0x200, s0  }
0x181: {  	v0 =	vld [tilespmem:s28+$0xC470]  }
0x182: {  	v1 =	vld [tilespmem:s28+$0xC400]  }
0x183: {  	v2 =	vld [tilespmem:s28+$0xC410]  }
0x184: {  	v3 =	vld [tilespmem:s28+$0xC420]  }
0x185: {  	v4 =	vld [tilespmem:s28+$0xC430]  }
0x186: {  	v39 =	vld [tilespmem:s28+$0xC440]  }
0x187: {  	v5 =	vld [tilespmem:s28+$0xC450]  }
0x188: {  	v6 =	vld [tilespmem:s28+$0xC460]  }
0x189: {  	[tilespmem:s28+$0x4470] =	vst.add.f32.msk $0xffff, v0  }
0x18a: {  	[tilespmem:s28+$0x4400] =	vst.add.f32.msk $0xffff, v1  }
0x18b: {  	[tilespmem:s28+$0x4410] =	vst.add.f32.msk $0xffff, v2  }
0x18c: {  	[tilespmem:s28+$0x4420] =	vst.add.f32.msk $0xffff, v3  }
0x18d: {  	[tilespmem:s28+$0x4430] =	vst.add.f32.msk $0xffff, v4  }
0x18e: {  	[tilespmem:s28+$0x4440] =	vst.add.f32.msk $0xffff, v39  }
0x18f: {  	[tilespmem:s28+$0x4450] =	vst.add.f32.msk $0xffff, v5  }
0x190: {  	s0 =	simm.s32 $0x0;
	s9 =	rddreg [dreg:$0x11];
	[tilespmem:s28+$0x4460] =	vst.add.f32.msk $0xffff, v6  }
0x191: {  	[hbm4b:s9+s0] =	stream.linear.scatter [tilespmem:s16], [sflag:$0x6], $0x4000, $0x38;
	[tilespmem:$0x10400] =	vst v63  }
0x192: {  	_ =	swait.ge [sflag:s15], $0x80  }
0x193: {  	[sflag:s15] =	ssyncset.done $0x0  }
0x194: {  	[sflag:s15] =	ssyncadd.s32 $0xFFFFFF80  }
0x195: {  	_ =	swait.ge [sflag:s15], $0x80  }
0x196: {  	[sflag:s15] =	ssyncset.done $0x0  }
0x197: {  	[sflag:s15] =	ssyncadd.s32 $0xFFFFFF80  }
0x198: {  	_ =	swait.ge [sflag:s15], $0x80  }
0x199: {  	[sflag:s15] =	ssyncset.done $0x0  }
0x19a: {  	[sflag:s15] =	ssyncadd.s32 $0xFFFFFF80  }
0x19b: {  	v40 =	vld [tilespmem:$0x180]  }
0x19c: {  	v41 =	vld [tilespmem:$0x280]  }
0x19d: {  	v42 =	vld [tilespmem:$0x190]  }
0x19e: {  	v43 =	vld [tilespmem:$0x290]  }
0x19f: {  	v44 =	vld [tilespmem:$0x1A0]  }
0x1a0: {  	v45 =	vld [tilespmem:$0x2A0]  }
0x1a1: {  	v46 =	vld [tilespmem:$0x1B0]  }
0x1a2: {  	v7 =	vld [tilespmem:$0x2B0]  }
0x1a3: {  	v8 =	vld [tilespmem:$0x1C0]  }
0x1a4: {  	v9 =	vld [tilespmem:$0x2C0]  }
0x1a5: {  	v10 =	vld [tilespmem:$0x1D0]  }
0x1a6: {  	v11 =	vld [tilespmem:$0x2D0]  }
0x1a7: {  	v12 =	vld [tilespmem:$0x1E0];
	v0 =	vshll.u32 v40, $0x5  }
0x1a8: {  	v48 =	vld [tilespmem:$0x2E0];
	v47 =	vshll.u32 v42, $0x5;
	v0 =	vadd.s32 v41, v0  }
0x1a9: {  	v51 =	vld [tilespmem:$0x1F0];
	v50 =	vshll.u32 v44, $0x5;
	v49 =	vadd.s32 v43, v47;
	[tilespmem:$0x380] =	vst v0  }
0x1aa: {  	v54 =	vld [tilespmem:$0x2F0];
	v53 =	vshll.u32 v46, $0x5;
	v52 =	vadd.s32 v45, v50;
	[tilespmem:$0x390] =	vst v49  }
0x1ab: {  	v56 =	vshll.u32 v8, $0x5;
	v55 =	vadd.s32 v7, v53;
	[tilespmem:$0x3A0] =	vst v52  }
0x1ac: {  	v58 =	vshll.u32 v10, $0x5;
	v57 =	vadd.s32 v9, v56;
	[tilespmem:$0x3B0] =	vst v55  }
0x1ad: {  	v60 =	vshll.u32 v12, $0x5;
	v59 =	vadd.s32 v11, v58;
	[tilespmem:$0x3C0] =	vst v57  }
0x1ae: {  	v62 =	vshll.u32 v51, $0x5;
	v61 =	vadd.s32 v48, v60;
	[tilespmem:$0x3D0] =	vst v59  }
0x1af: {  	v63 =	vadd.s32 v54, v62;
	[tilespmem:$0x3E0] =	vst v61  }
0x1b0: {  	[tilespmem:$0x3F0] =	vst v63  }
0x1b1: {  	_ =	swait.ge [sflag:s26], $0x4000  }
0x1b2: {  	[sflag:s26] =	ssyncset.done $0x0  }
0x1b3: {  	[sflag:s26] =	ssyncadd.s32 $0xFFFFC000  }
0x1b4: {  	[tilespmem:s16], [sflag:$0x4] =	stream.indirect.gather [hbm4b:s1+s2], $0x80, s2, s2, $0xb8;
	[tilespmem:$0x10400] =	vst v63  }
0x1b5: {  	_ = 	snop  }
0x1b6: {  	[tilespmem:s18], [sflag:$0x4] =	stream.indirect.gather [hbm4b:s8+s2], $0x80, s17, s2, $0xb8;
	[tilespmem:$0x10400] =	vst v63  }
0x1b7: {  	_ =	swait.ge [sflag:s23], $0x4000  }
0x1b8: {  	[sflag:s23] =	ssyncset.done $0x0  }
0x1b9: {  	[sflag:s23] =	ssyncadd.s32 $0xFFFFC000  }
0x1ba: {  	_ =	swait.ge [sflag:s23], $0x4000  }
0x1bb: {  	[sflag:s23] =	ssyncset.done $0x0  }
0x1bc: {  	s28 =	simm.s32 $0x0;
	s0 =	simm.s32 $0x200;
	[sflag:s23] =	ssyncadd.s32 $0xFFFFC000  }
.LBB2_12:
0x1bd: {  	p0 =	sne.s32 s0, $0xFE00;
	v0 =	vld [tilespmem:s28+$0x8470]  }
0x1be: {  	v1 =	vld [tilespmem:s28+$0x8400]  }
0x1bf: {  	v2 =	vld [tilespmem:s28+$0x8410]  }
0x1c0: {  	v3 =	vld [tilespmem:s28+$0x8420]  }
0x1c1: {  	v4 =	vld [tilespmem:s28+$0x8430]  }
0x1c2: {  	[tilespmem:s28+$0x470] =	vst.add.f32.msk $0xffff, v0  }
0x1c3: {  	v0 =	vld [tilespmem:s28+$0x8440]  }
0x1c4: {  	v5 =	vld [tilespmem:s28+$0x8450]  }
0x1c5: {  	v6 =	vld [tilespmem:s28+$0x8460]  }
0x1c6: {  	[tilespmem:s28+$0x400] =	vst.add.f32.msk $0xffff, v1  }
0x1c7: {  	[tilespmem:s28+$0x410] =	vst.add.f32.msk $0xffff, v2  }
.Ltmp5:
0x1c8: {  	[tilespmem:s28+$0x420] =	vst.add.f32.msk $0xffff, v3;
	(pc) =	sbr.rel @p0 .LBB2_12-.Ltmp5, $4  }
0x1c9: {  	[tilespmem:s28+$0x430] =	vst.add.f32.msk $0xffff, v4  }
0x1ca: {  	[tilespmem:s28+$0x440] =	vst.add.f32.msk $0xffff, v0  }
0x1cb: {  	[tilespmem:s28+$0x450] =	vst.add.f32.msk $0xffff, v5  }
0x1cc: {  	[tilespmem:s28+$0x460] =	vst.add.f32.msk $0xffff, v6;
	s28 =	sshra.s32 s0, $0x2;
	s0 =	sadd.s32 $0x200, s0  }
0x1cd: {  	v0 =	vld [tilespmem:s28+$0x8470]  }
0x1ce: {  	v1 =	vld [tilespmem:s28+$0x8400]  }
0x1cf: {  	v2 =	vld [tilespmem:s28+$0x8410]  }
0x1d0: {  	v3 =	vld [tilespmem:s28+$0x8420]  }
0x1d1: {  	v4 =	vld [tilespmem:s28+$0x8430]  }
0x1d2: {  	v63 =	vld [tilespmem:s28+$0x8440]  }
0x1d3: {  	v5 =	vld [tilespmem:s28+$0x8450]  }
0x1d4: {  	v6 =	vld [tilespmem:s28+$0x8460]  }
0x1d5: {  	[tilespmem:s28+$0x470] =	vst.add.f32.msk $0xffff, v0  }
0x1d6: {  	[tilespmem:s28+$0x400] =	vst.add.f32.msk $0xffff, v1  }
0x1d7: {  	[tilespmem:s28+$0x410] =	vst.add.f32.msk $0xffff, v2  }
0x1d8: {  	[tilespmem:s28+$0x420] =	vst.add.f32.msk $0xffff, v3  }
0x1d9: {  	[tilespmem:s28+$0x430] =	vst.add.f32.msk $0xffff, v4  }
0x1da: {  	[tilespmem:s28+$0x440] =	vst.add.f32.msk $0xffff, v63  }
0x1db: {  	[tilespmem:s28+$0x450] =	vst.add.f32.msk $0xffff, v5  }
0x1dc: {  	s0 =	simm.s32 $0x0;
	s9 =	rddreg [dreg:$0x12];
	[tilespmem:s28+$0x460] =	vst.add.f32.msk $0xffff, v6  }
0x1dd: {  	[hbm4b:s9+s0] =	stream.linear.scatter [tilespmem:s12], [sflag:$0x5], $0x4000, $0x38;
	[tilespmem:$0x10400] =	vst v63  }
0x1de: {  	_ =	swait.ge [sflag:s25], $0x4000  }
0x1df: {  	[sflag:s25] =	ssyncset.done $0x0  }
0x1e0: {  	[sflag:s25] =	ssyncadd.s32 $0xFFFFC000  }
0x1e1: {  	_ =	swait.ge [sflag:s25], $0x4000  }
0x1e2: {  	[sflag:s25] =	ssyncset.done $0x0  }
0x1e3: {  	s28 =	simm.s32 $0x0;
	s0 =	simm.s32 $0x200;
	[sflag:s25] =	ssyncadd.s32 $0xFFFFC000  }
.LBB2_14:
0x1e4: {  	p0 =	sne.s32 s0, $0xFE00;
	v0 =	vld [tilespmem:s28+$0xC470]  }
0x1e5: {  	v1 =	vld [tilespmem:s28+$0xC400]  }
0x1e6: {  	v2 =	vld [tilespmem:s28+$0xC410]  }
0x1e7: {  	v3 =	vld [tilespmem:s28+$0xC420]  }
0x1e8: {  	v4 =	vld [tilespmem:s28+$0xC430]  }
0x1e9: {  	[tilespmem:s28+$0x4470] =	vst.add.f32.msk $0xffff, v0  }
0x1ea: {  	v0 =	vld [tilespmem:s28+$0xC440]  }
0x1eb: {  	v5 =	vld [tilespmem:s28+$0xC450]  }
0x1ec: {  	v6 =	vld [tilespmem:s28+$0xC460]  }
0x1ed: {  	[tilespmem:s28+$0x4400] =	vst.add.f32.msk $0xffff, v1  }
0x1ee: {  	[tilespmem:s28+$0x4410] =	vst.add.f32.msk $0xffff, v2  }
.Ltmp6:
0x1ef: {  	[tilespmem:s28+$0x4420] =	vst.add.f32.msk $0xffff, v3;
	(pc) =	sbr.rel @p0 .LBB2_14-.Ltmp6, $4  }
0x1f0: {  	[tilespmem:s28+$0x4430] =	vst.add.f32.msk $0xffff, v4  }
0x1f1: {  	[tilespmem:s28+$0x4440] =	vst.add.f32.msk $0xffff, v0  }
0x1f2: {  	[tilespmem:s28+$0x4450] =	vst.add.f32.msk $0xffff, v5  }
0x1f3: {  	[tilespmem:s28+$0x4460] =	vst.add.f32.msk $0xffff, v6;
	s28 =	sshra.s32 s0, $0x2;
	s0 =	sadd.s32 $0x200, s0  }
0x1f4: {  	v0 =	vld [tilespmem:s28+$0xC470]  }
0x1f5: {  	v1 =	vld [tilespmem:s28+$0xC400]  }
0x1f6: {  	v2 =	vld [tilespmem:s28+$0xC410]  }
0x1f7: {  	v3 =	vld [tilespmem:s28+$0xC420]  }
0x1f8: {  	v4 =	vld [tilespmem:s28+$0xC430]  }
0x1f9: {  	v63 =	vld [tilespmem:s28+$0xC440]  }
0x1fa: {  	v5 =	vld [tilespmem:s28+$0xC450]  }
0x1fb: {  	v6 =	vld [tilespmem:s28+$0xC460]  }
0x1fc: {  	[tilespmem:s28+$0x4470] =	vst.add.f32.msk $0xffff, v0  }
0x1fd: {  	[tilespmem:s28+$0x4400] =	vst.add.f32.msk $0xffff, v1  }
0x1fe: {  	[tilespmem:s28+$0x4410] =	vst.add.f32.msk $0xffff, v2  }
0x1ff: {  	[tilespmem:s28+$0x4420] =	vst.add.f32.msk $0xffff, v3  }
0x200: {  	[tilespmem:s28+$0x4430] =	vst.add.f32.msk $0xffff, v4  }
0x201: {  	[tilespmem:s28+$0x4440] =	vst.add.f32.msk $0xffff, v63  }
0x202: {  	[tilespmem:s28+$0x4450] =	vst.add.f32.msk $0xffff, v5  }
0x203: {  	s0 =	rddreg [dreg:$0x13];
	[tilespmem:s28+$0x4460] =	vst.add.f32.msk $0xffff, v6  }
0x204: {  	[hbm4b:s0+s4] =	stream.linear.scatter [tilespmem:s16], [sflag:$0x6], $0x4000, $0x38;
	[tilespmem:$0x10400] =	vst v63  }
0x205: {  	_ =	swait.ge [sflag:s24], $0x4000  }
0x206: {  	[sflag:s24] =	ssyncset.done $0x0  }
0x207: {  	[sflag:s24] =	ssyncadd.s32 $0xFFFFC000  }
0x208: {  	_ =	swait.ge [sflag:s26], $0x4000  }
0x209: {  	s9 =	rddreg [dreg:$0x15]  }
0x20a: {  	s31 =	rddreg [dreg:$0x14];
	s9 =	sadd.s32 $0x1, s9  }
0x20b: {  	p0 =	sne.s32 s9, s31  }
.Ltmp7:
0x20c: {  	_ = 	snop;
	(pc) =	sbr.rel @p0 .LBB2_1-.Ltmp7, $3  }
0x20d: {  	_ =	sdelay $0x1  }
0x20e: {  	[sflag:s26] =	ssyncset.done $0x0  }
0x20f: {  	[sflag:s26] =	ssyncadd.s32 $0xFFFFC000  }
0x210: {  	_ =	sfence.sel $0x180000  }
0x211: {  	[bflag:$0x0] =	sbarrier.arrive $0xFFFF  }
0x212: {  	_ =	strace $0x90000047  }
0x213: {  	s0 =	stileid.u32;
	[bflag:$0x2] =	sbarrier.arrive $0xFFFF  }
0x214: {  	p0 =	sne.s32 s0, $0x0;
	s0 =	rddreg [dreg:$0x3]  }
0x215: {  	s0 =	sadd.s32 @!p0 $0x100000, s0  }
0x216: {  	[sflag:s0] =	ssyncadd.tile.s32 @!p0 $0x1;
	_ =	shalt  }
.Lfunc_end2:
_tile_overlayer_lowered:
.L_overlay_start_2:
0x217: {  	(tag) =	ssettag $0x2  }
0x218: {  	s0 =	rddreg [dreg:$0x0];
	s2 =	stileid.u32  }
0x219: {  	s1 =	rddreg [dreg:$0x1];
	p0 =	sne.s32 s2, $0x0  }
0x21a: {  	s3 =	rddreg [dreg:$0x2];
	[bflag:$0x3] =	sbarrier.arrive $0xFFFF;
	s2 =	simm.s32 @!p0 $0x1C07  }
0x21b: {  	[timem:s3], [sflag:s2] =	dma.local @!p0 [hbm:s0], s1  }
0x21c: {  	s0 =	simm.s32 @!p0 $0x7  }
0x21d: {  	_ =	swait.ge @!p0 [sflag:s0], s1  }
0x21e: {  	s1 =	ssub.s32 @!p0 $0x0, s1;
	[sflag:s0] =	ssyncset.done @!p0 $0x0  }
0x21f: {  	[sflag:s0] =	ssyncadd.s32 @!p0 s1  }
0x220: {  	[bflag:$0x3] =	sbarrier.arrive $0xFFFF  }
0x221: {  	_ =	shalt  }

</sc_bundles>
